<compile_context>
chip_gen: v7x
topology: tpu7x:2x2x1
jax: 0.10.2.dev20260603
libtpu: 0.0.44.dev20260713+nightly
codegen_flags: <defaults>
</compile_context>

<pallas_src>
import functools

import jax
import jax.numpy as jnp
from jax import lax
from jax.experimental import pallas as pl
from jax.experimental.pallas import tpu as pltpu
from jax.experimental.pallas import tpu_sc as plsc

N = 10000
D = 128
E = 320000
C = 10

NC = 2
NS = 16
L = 16

NPAD = 10240
ROWS_PER_SUB = NPAD // NS
K = 128
BATCH_PER_SUB = 160
EPAD = NS * BATCH_PER_SUB * K

RB = 1000
GRID = N // RB

_mesh = plsc.VectorSubcoreMesh(core_axis_name="c", subcore_axis_name="s")


@functools.partial(
    pl.kernel,
    out_type=(
        jax.ShapeDtypeStruct((NPAD, D), jnp.float32),
        jax.ShapeDtypeStruct((NPAD, D), jnp.float32),
    ),
    mesh=_mesh,
    scratch_types=[
        pltpu.VMEM((K,), jnp.int32),
        pltpu.VMEM((K, D), jnp.float32),
        pltpu.VMEM_SHARED((NPAD, D), jnp.float32),
    ],
)
def _degree_kernel(dstp_hbm, srcq_hbm, ones_hbm, zrows_hbm, d0, d1, idx,
                   onesbuf, acc):
    c = lax.axis_index("c")
    s = lax.axis_index("s")
    pltpu.sync_copy(ones_hbm, onesbuf)
    pltpu.sync_copy(zrows_hbm, acc.at[pl.ds(s * ROWS_PER_SUB, ROWS_PER_SUB), :])
    plsc.subcore_barrier()

    def run(ei, out):
        def go():
            base0 = s * (BATCH_PER_SUB * K)

            def step(b, carry):
                pltpu.sync_copy(ei.at[pl.ds(base0 + b * K, K)], idx)
                pltpu.sync_copy(onesbuf, acc.at[idx], add=True)
                return carry

            lax.fori_loop(0, BATCH_PER_SUB, step, 0)
            plsc.subcore_barrier()
            pltpu.sync_copy(
                acc.at[pl.ds(s * ROWS_PER_SUB, ROWS_PER_SUB), :],
                out.at[pl.ds(s * ROWS_PER_SUB, ROWS_PER_SUB), :],
            )
        return go

    pl.when(c == 0)(run(dstp_hbm, d0))
    pl.when(c == 1)(run(srcq_hbm, d1))


@functools.partial(
    pl.kernel,
    out_type=(
        jax.ShapeDtypeStruct((NPAD, D), jnp.float32),
        jax.ShapeDtypeStruct((NPAD, D), jnp.float32),
    ),
    mesh=_mesh,
    scratch_types=[
        pltpu.VMEM((K,), jnp.int32),
        pltpu.VMEM((K,), jnp.int32),
        pltpu.VMEM((K, D), jnp.float32),
        pltpu.VMEM_SHARED((NPAD, D), jnp.float32),
        pltpu.SemaphoreType.DMA,
    ],
)
def _segsum_kernel(u0, u1, srcp, dstp, zrows, z0, z1, sidx, didx, rowbuf, acc, sem):
    c = lax.axis_index("c")
    s = lax.axis_index("s")
    pltpu.sync_copy(zrows, acc.at[pl.ds(s * ROWS_PER_SUB, ROWS_PER_SUB), :])
    plsc.subcore_barrier()

    def run(u, z):
        def go():
            base0 = s * (BATCH_PER_SUB * K)

            def step(b, carry):
                base = base0 + b * K
                pltpu.sync_copy(srcp.at[pl.ds(base, K)], sidx)
                pltpu.sync_copy(dstp.at[pl.ds(base, K)], didx)
                pltpu.async_copy(u.at[sidx], rowbuf, sem).wait()
                pltpu.sync_copy(rowbuf, acc.at[didx], add=True)
                return carry

            lax.fori_loop(0, BATCH_PER_SUB, step, 0)
            plsc.subcore_barrier()
            pltpu.sync_copy(
                acc.at[pl.ds(s * ROWS_PER_SUB, ROWS_PER_SUB), :],
                z.at[pl.ds(s * ROWS_PER_SUB, ROWS_PER_SUB), :],
            )
        return go

    pl.when(c == 0)(run(u0, z0))
    pl.when(c == 1)(run(u1, z1))


def _dotf(a, b):
    return jnp.dot(a, b, preferred_element_type=jnp.float32)


def _elu(v):
    return jnp.where(v > 0, v, jnp.exp(v) - 1.0)


def _lin1_body(x_ref, w_ref, b_ref, o_ref):
    o_ref[...] = _dotf(x_ref[...], w_ref[...]) + b_ref[...]


_lin1 = pl.pallas_call(
    _lin1_body,
    grid=(GRID,),
    in_specs=[
        pl.BlockSpec((RB, D), lambda i: (i, 0)),
        pl.BlockSpec((D, D), lambda i: (0, 0)),
        pl.BlockSpec((1, D), lambda i: (0, 0)),
    ],
    out_specs=pl.BlockSpec((RB, D), lambda i: (i, 0)),
    out_shape=jax.ShapeDtypeStruct((N, D), jnp.float32),
)


def _pre_body(x_ref, w_ref, degt_ref, o_ref):
    a = lax.rsqrt(jnp.maximum(degt_ref[:, 1:2], 1.0))
    o_ref[...] = _dotf(x_ref[...], w_ref[...]) * a


_pre = pl.pallas_call(
    _pre_body,
    grid=(GRID,),
    in_specs=[
        pl.BlockSpec((RB, D), lambda i: (i, 0)),
        pl.BlockSpec((D, D), lambda i: (0, 0)),
        pl.BlockSpec((RB, 2), lambda i: (i, 0)),
    ],
    out_specs=pl.BlockSpec((RB, D), lambda i: (i, 0)),
    out_shape=jax.ShapeDtypeStruct((N, D), jnp.float32),
)


def _post_body(x_ref, zs_ref, zg_ref, degt_ref, wself_ref, wnb_ref, wi_ref,
               wl_ref, wna_ref, o_ref):
    deg_in = jnp.maximum(degt_ref[:, 0:1], 1.0)
    x = x_ref[...]
    zs = zs_ref[...]
    op0 = zg_ref[...] * lax.rsqrt(deg_in)
    op1 = _dotf(x, wself_ref[...]) + _dotf(zs / deg_in, wnb_ref[...])
    op2 = _dotf(x + zs, wi_ref[...])
    op3 = _dotf(x, wl_ref[...])
    w = wna_ref
    o_ref[...] = (w[0, 0] * _elu(op0) + w[0, 1] * _elu(op1)
                  + w[0, 2] * _elu(op2) + w[0, 3] * _elu(op3))


_post = pl.pallas_call(
    _post_body,
    grid=(GRID,),
    in_specs=[
        pl.BlockSpec((RB, D), lambda i: (i, 0)),
        pl.BlockSpec((RB, D), lambda i: (i, 0)),
        pl.BlockSpec((RB, D), lambda i: (i, 0)),
        pl.BlockSpec((RB, 2), lambda i: (i, 0)),
        pl.BlockSpec((D, D), lambda i: (0, 0)),
        pl.BlockSpec((D, D), lambda i: (0, 0)),
        pl.BlockSpec((D, D), lambda i: (0, 0)),
        pl.BlockSpec((D, D), lambda i: (0, 0)),
        pl.BlockSpec((1, 4), lambda i: (0, 0)),
    ],
    out_specs=pl.BlockSpec((RB, D), lambda i: (i, 0)),
    out_shape=jax.ShapeDtypeStruct((N, D), jnp.float32),
)


def _final_body(x1_ref, x2_ref, x3_ref, wla_ref, wcls_ref, bcls_ref, q_ref, o_ref):
    q = q_ref
    s1 = q[0, 0] * x1_ref[...]
    s2 = q[0, 1] * x2_ref[...]
    x3 = x3_ref[...]
    op0 = s1 + s2 + x3
    op1 = jnp.maximum(jnp.maximum(s1, s2), x3)
    op2 = (_dotf(s1, wla_ref[0:D, :]) + _dotf(s2, wla_ref[D:2 * D, :])
           + _dotf(x3, wla_ref[2 * D:3 * D, :]))
    x5 = q[0, 2] * _elu(op0) + q[0, 3] * _elu(op1) + q[0, 4] * _elu(op2)
    o_ref[...] = _dotf(x5, wcls_ref[...]) + bcls_ref[...]


_final = pl.pallas_call(
    _final_body,
    grid=(GRID,),
    in_specs=[
        pl.BlockSpec((RB, D), lambda i: (i, 0)),
        pl.BlockSpec((RB, D), lambda i: (i, 0)),
        pl.BlockSpec((RB, D), lambda i: (i, 0)),
        pl.BlockSpec((3 * D, D), lambda i: (0, 0)),
        pl.BlockSpec((D, C), lambda i: (0, 0)),
        pl.BlockSpec((1, C), lambda i: (0, 0)),
        pl.BlockSpec((1, 5), lambda i: (0, 0)),
    ],
    out_specs=pl.BlockSpec((RB, C), lambda i: (i, 0)),
    out_shape=jax.ShapeDtypeStruct((N, C), jnp.float32),
)


def kernel(x, edge_index, W_lin1, b_lin1, Wg, Ws_self, Ws_nb, Wi, Wl, W_la,
           W_cls, b_cls, na_alphas, sc_alphas, la_alphas):
    src = edge_index[0]
    dst = edge_index[1]
    pad = jnp.full((EPAD - E,), NPAD - 1, jnp.int32)
    srcp = jnp.concatenate([src, jnp.zeros((EPAD - E,), jnp.int32)])
    srcq = jnp.concatenate([src, pad])
    dstp = jnp.concatenate([dst, pad])
    ones_rows = jnp.ones((K, D), jnp.float32)
    zrows = jnp.zeros((ROWS_PER_SUB, D), jnp.float32)

    d0, d1 = _degree_kernel(dstp, srcq, ones_rows, zrows)
    degt = jnp.stack([d0[:, 0], d1[:, 0]], axis=1)

    wna = jax.nn.softmax(na_alphas, axis=-1)
    q1 = jax.nn.softmax(sc_alphas[0])[0]
    q2 = jax.nn.softmax(sc_alphas[1])[0]
    wla = jax.nn.softmax(la_alphas[0])
    scal = jnp.stack([q1, q2, wla[0], wla[1], wla[2]]).reshape(1, 5)

    xcur = _lin1(x, W_lin1, b_lin1.reshape(1, D))
    xs = []
    for l in range(3):
        u1 = _pre(xcur, Wg[l], degt)
        z0, z1 = _segsum_kernel(xcur, u1, srcp, dstp, zrows)
        xcur = _post(xcur, z0, z1, degt, Ws_self[l], Ws_nb[l], Wi[l], Wl[l],
                     wna[l].reshape(1, 4))
        xs.append(xcur)

    return _final(xs[0], xs[1], xs[2], W_la, W_cls, b_cls.reshape(1, C), scal)

# --- scband reference (transcript-rebuilt; emitter-appended) ---
"""Pipeline reference for scband-network-50019189129632 (READ-ONLY COPY).

The authoritative reference and input builder live on the scoring server;
editing this copy changes nothing except your own understanding.
"""

import jax, jax.numpy as jnp
import numpy as np

N = 10000
E = 320000
D = 128
C = 10


def _mean_agg(h, src, dst):
    s = jax.ops.segment_sum(h[src], dst, num_segments=N)
    deg = jax.ops.segment_sum(jnp.ones((src.shape[0],), h.dtype), dst, num_segments=N)
    return s / jnp.clip(deg, 1.0)[:, None]


def _sum_agg(h, src, dst):
    return jax.ops.segment_sum(h[src], dst, num_segments=N)


def _gcn_agg(h, src, dst):
    ones = jnp.ones((src.shape[0],), h.dtype)
    deg_in = jax.ops.segment_sum(ones, dst, num_segments=N)
    deg_out = jax.ops.segment_sum(ones, src, num_segments=N)
    norm = jax.lax.rsqrt(jnp.clip(deg_out, 1.0))[src] * jax.lax.rsqrt(jnp.clip(deg_in, 1.0))[dst]
    return jax.ops.segment_sum(h[src] * norm[:, None], dst, num_segments=N)


def _na_mixed(x, x0, alphas, src, dst, Wg, Ws_self, Ws_nb, Wi, Wl):
    # NaMixedOp: sum_i w_i * elu(op_i(x, x0, edge_index)); 4 NA primitives
    w = jax.nn.softmax(alphas)
    op0 = _gcn_agg(x @ Wg, src, dst)                      # gcn
    op1 = x @ Ws_self + _mean_agg(x, src, dst) @ Ws_nb    # sage (mean)
    op2 = (x + _sum_agg(x, src, dst)) @ Wi                # gin (sum)
    op3 = x @ Wl                                          # linear / mlp
    return (w[0] * jax.nn.elu(op0) + w[1] * jax.nn.elu(op1)
            + w[2] * jax.nn.elu(op2) + w[3] * jax.nn.elu(op3))


def _sc_mixed(x, alphas):
    # ScMixedOp: skip / zero
    w = jax.nn.softmax(alphas)
    return w[0] * x + w[1] * jnp.zeros_like(x)


def _la_mixed(xs, alphas, W_la):
    # LaMixedOp: sum_i w_i * elu(op_i([x1..xL])); ops: l_sum, l_max, l_concat+linear
    w = jax.nn.softmax(alphas)
    stacked = jnp.stack(xs, 0)
    op0 = jnp.sum(stacked, 0)
    op1 = jnp.max(stacked, 0)
    op2 = jnp.concatenate(xs, -1) @ W_la
    return w[0] * jax.nn.elu(op0) + w[1] * jax.nn.elu(op1) + w[2] * jax.nn.elu(op2)


def setup_inputs(seed: int = 0):
    key = jax.random.key(seed)
    ks = jax.random.split(key, 16)
    s = 1.0 / np.sqrt(D)
    inp = {}
    inp["x"] = jax.random.normal(ks[0], (N, D), dtype=jnp.float32)
    inp["edge_index"] = jax.random.randint(ks[1], (2, E), 0, N, dtype=jnp.int32)
    inp["W_lin1"] = jax.random.normal(ks[2], (D, D), dtype=jnp.float32) * s
    inp["b_lin1"] = jnp.zeros((D,), jnp.float32)
    inp["Wg"] = jax.random.normal(ks[3], (3, D, D), dtype=jnp.float32) * s
    inp["Ws_self"] = jax.random.normal(ks[4], (3, D, D), dtype=jnp.float32) * s
    inp["Ws_nb"] = jax.random.normal(ks[5], (3, D, D), dtype=jnp.float32) * s
    inp["Wi"] = jax.random.normal(ks[6], (3, D, D), dtype=jnp.float32) * s
    inp["Wl"] = jax.random.normal(ks[7], (3, D, D), dtype=jnp.float32) * s
    inp["W_la"] = jax.random.normal(ks[8], (3 * D, D), dtype=jnp.float32) * (1.0 / np.sqrt(3 * D))
    inp["W_cls"] = jax.random.normal(ks[9], (D, C), dtype=jnp.float32) * s
    inp["b_cls"] = jnp.zeros((C,), jnp.float32)
    inp["na_alphas"] = 1e-3 * jax.random.normal(ks[10], (3, 4), dtype=jnp.float32)
    inp["sc_alphas"] = 1e-3 * jax.random.normal(ks[11], (2, 2), dtype=jnp.float32)
    inp["la_alphas"] = 1e-3 * jax.random.normal(ks[12], (1, 3), dtype=jnp.float32)
    return inp


def reference(x, edge_index, W_lin1, b_lin1, Wg, Ws_self, Ws_nb, Wi, Wl, W_la, W_cls, b_cls, na_alphas, sc_alphas, la_alphas):
    src, dst = edge_index[0], edge_index[1]
    h = x @ W_lin1 + b_lin1
    x0 = h
    x1 = _na_mixed(h, x0, na_alphas[0], src, dst, Wg[0], Ws_self[0], Ws_nb[0], Wi[0], Wl[0])
    x2 = _na_mixed(x1, x0, na_alphas[1], src, dst, Wg[1], Ws_self[1], Ws_nb[1], Wi[1], Wl[1])
    x3 = _na_mixed(x2, x0, na_alphas[2], src, dst, Wg[2], Ws_self[2], Ws_nb[2], Wi[2], Wl[2])
    # fix_last=True: skip-connect choices only for x1, x2; x3 always kept
    s1 = _sc_mixed(x1, sc_alphas[0])
    s2 = _sc_mixed(x2, sc_alphas[1])
    x5 = _la_mixed([s1, s2, x3], la_alphas[0], W_la)
    logits = x5 @ W_cls + b_cls
    return logits

if __name__ == "__main__":
    import jax
    _d = setup_inputs()
    print(jax.jit(kernel)(*tuple(_d.values())))

</pallas_src>

<mosaic_0001>
#map = affine_map<(d0, d1) -> (0)>
#map1 = affine_map<(d0, d1) -> (0, 0)>
module attributes {stable_mosaic.version = 14 : i64} {
  func.func @_degree_kernel(%arg0: i32, %arg1: i32, %arg2: memref<327680xi32, #tpu.memory_space<hbm>>, %arg3: memref<327680xi32, #tpu.memory_space<hbm>>, %arg4: memref<128x128xf32, #tpu.memory_space<hbm>>, %arg5: memref<640x128xf32, #tpu.memory_space<hbm>>, %arg6: memref<10240x128xf32, #tpu.memory_space<hbm>>, %arg7: memref<10240x128xf32, #tpu.memory_space<hbm>>, %arg8: memref<128xi32, #tpu.memory_space<vmem>>, %arg9: memref<128x128xf32, #tpu.memory_space<vmem>>, %arg10: memref<10240x128xf32, #tpu.memory_space<vmem_shared>>) attributes {dimension_semantics = [#tpu.dimension_semantics<core_parallel>, #tpu.dimension_semantics<subcore_parallel>], iteration_bounds = array<i64: 2, 16>, scalar_prefetch = 0 : i64, scratch_operands = 3 : i64, tpu.core_type = #tpu.core_type<sc_vector_subcore>, window_params = [{transform_indices = #map}, {transform_indices = #map}, {transform_indices = #map1}, {transform_indices = #map1}, {transform_indices = #map1}, {transform_indices = #map1}]} {
    "tpu.region"() ({
      %run_scoped3A = tpu.sem_alloc : memref<!tpu.dma_semaphore, #tpu.memory_space<semaphore_mem>>
      tpu.enqueue_dma source(%arg4 : memref<128x128xf32, #tpu.memory_space<hbm>>) target(%arg9 : memref<128x128xf32, #tpu.memory_space<vmem>>) target_semaphore(%run_scoped3A : memref<!tpu.dma_semaphore, #tpu.memory_space<semaphore_mem>>)
      tpu.wait_dma2 semaphore(%run_scoped3A : memref<!tpu.dma_semaphore, #tpu.memory_space<semaphore_mem>>) src(%arg4 : memref<128x128xf32, #tpu.memory_space<hbm>>) dst(%arg9 : memref<128x128xf32, #tpu.memory_space<vmem>>)
      tpu.yield
    }) : () -> ()
    %mul3A = arith.constant 640 : i32
    %mul3A_0 = arith.muli %arg1, %mul3A : i32
    "tpu.region"() ({
      %run_scoped3A = tpu.sem_alloc : memref<!tpu.dma_semaphore, #tpu.memory_space<semaphore_mem>>
      %dma_start3A = arith.constant 0 : i32
      %dma_start3A_8 = tpu.memref_slice %arg10[%mul3A_0, %dma_start3A] : memref<10240x128xf32, #tpu.memory_space<vmem_shared>> -> memref<640x128xf32, #tpu.memory_space<vmem_shared>>
      tpu.enqueue_dma source(%arg5 : memref<640x128xf32, #tpu.memory_space<hbm>>) target(%dma_start3A_8 : memref<640x128xf32, #tpu.memory_space<vmem_shared>>) target_semaphore(%run_scoped3A : memref<!tpu.dma_semaphore, #tpu.memory_space<semaphore_mem>>)
      %dma_wait3A = arith.constant 0 : i32
      %dma_wait3A_9 = tpu.memref_slice %arg10[%mul3A_0, %dma_wait3A] : memref<10240x128xf32, #tpu.memory_space<vmem_shared>> -> memref<640x128xf32, #tpu.memory_space<vmem_shared>>
      tpu.wait_dma2 semaphore(%run_scoped3A : memref<!tpu.dma_semaphore, #tpu.memory_space<semaphore_mem>>) src(%arg5 : memref<640x128xf32, #tpu.memory_space<hbm>>) dst(%dma_wait3A_9 : memref<640x128xf32, #tpu.memory_space<vmem_shared>>)
      tpu.yield
    }) : () -> ()
    %barrier3A = arith.constant 0 : index
    tpu.barrier barrier_id(%barrier3A)
    %eq3A = arith.constant 0 : i32
    %eq3A_1 = arith.cmpi eq, %arg0, %eq3A : i32
    %convert_element_type3A = arith.extui %eq3A_1 : i1 to i32
    %cond3A = arith.constant 0 : i32
    %cond3A_2 = arith.cmpi ne, %convert_element_type3A, %cond3A : i32
    scf.if %cond3A_2 {
      %mul3A_8 = arith.constant 20480 : i32
      %mul3A_9 = arith.muli %arg1, %mul3A_8 : i32
      %scan3A = arith.constant 0 : i32
      %scan3A_10 = arith.constant 0 : i32
      %scan3A_11 = arith.constant 160 : i32
      %scan3A_12 = arith.addi %scan3A_10, %scan3A_11 : i32
      %scan3A_13 = arith.constant 1 : i32
      scf.for %scan3A_20 = %scan3A_10 to %scan3A_12 step %scan3A_13  : i32 {
        %mul3A_21 = arith.constant 128 : i32
        %mul3A_22 = arith.muli %scan3A_20, %mul3A_21 : i32
        %add3A = arith.addi %mul3A_9, %mul3A_22 : i32
        "tpu.region"() ({
          %run_scoped3A = tpu.sem_alloc : memref<!tpu.dma_semaphore, #tpu.memory_space<semaphore_mem>>
          %dma_start3A = tpu.memref_slice %arg2[%add3A] : memref<327680xi32, #tpu.memory_space<hbm>> -> memref<128xi32, #tpu.memory_space<hbm>>
          %dma_start3A_23 = tpu.memref_slice %arg2[%add3A] : memref<327680xi32, #tpu.memory_space<hbm>> -> memref<128xi32, #tpu.memory_space<hbm>>
          tpu.enqueue_dma source(%dma_start3A_23 : memref<128xi32, #tpu.memory_space<hbm>>) target(%arg8 : memref<128xi32, #tpu.memory_space<vmem>>) target_semaphore(%run_scoped3A : memref<!tpu.dma_semaphore, #tpu.memory_space<semaphore_mem>>)
          %dma_wait3A = tpu.memref_slice %arg2[%add3A] : memref<327680xi32, #tpu.memory_space<hbm>> -> memref<128xi32, #tpu.memory_space<hbm>>
          %dma_wait3A_24 = tpu.memref_slice %arg2[%add3A] : memref<327680xi32, #tpu.memory_space<hbm>> -> memref<128xi32, #tpu.memory_space<hbm>>
          tpu.wait_dma2 semaphore(%run_scoped3A : memref<!tpu.dma_semaphore, #tpu.memory_space<semaphore_mem>>) src(%dma_wait3A_24 : memref<128xi32, #tpu.memory_space<hbm>>) dst(%arg8 : memref<128xi32, #tpu.memory_space<vmem>>)
          tpu.yield
        }) : () -> ()
        "tpu.region"() ({
          %run_scoped3A = tpu.sem_alloc : memref<!tpu.dma_semaphore, #tpu.memory_space<semaphore_mem>>
          %dma_start3A = arith.constant 0 : i32
          %dma_start3A_23 = arith.constant 0 : i32
          %dma_start3A_24 = tpu.memref_slice %arg10[%dma_start3A, %dma_start3A_23] : memref<10240x128xf32, #tpu.memory_space<vmem_shared>> -> memref<10240x128xf32, #tpu.memory_space<vmem_shared>>
          tpu.enqueue_indirect_dma source(%arg9 : memref<128x128xf32, #tpu.memory_space<vmem>>) target(%dma_start3A_24 : memref<10240x128xf32, #tpu.memory_space<vmem_shared>>) offsets(%arg8 : memref<128xi32, #tpu.memory_space<vmem>>) semaphore(%run_scoped3A : memref<!tpu.dma_semaphore, #tpu.memory_space<semaphore_mem>>) {add = true}
          %dma_wait3A = arith.constant 0 : i32
          %dma_wait3A_25 = arith.constant 0 : i32
          %dma_wait3A_26 = tpu.memref_slice %arg10[%dma_wait3A, %dma_wait3A_25] : memref<10240x128xf32, #tpu.memory_space<vmem_shared>> -> memref<10240x128xf32, #tpu.memory_space<vmem_shared>>
          tpu.wait_indirect_dma semaphore(%run_scoped3A : memref<!tpu.dma_semaphore, #tpu.memory_space<semaphore_mem>>) src(%arg9 : memref<128x128xf32, #tpu.memory_space<vmem>>) dst(%dma_wait3A_26 : memref<10240x128xf32, #tpu.memory_space<vmem_shared>>)
          tpu.yield
        }) : () -> ()
      }
      %scan3A_14 = arith.constant 160 : i32
      %barrier3A_15 = arith.constant 0 : index
      tpu.barrier barrier_id(%barrier3A_15)
      %mul3A_16 = arith.constant 640 : i32
      %mul3A_17 = arith.muli %arg1, %mul3A_16 : i32
      %mul3A_18 = arith.constant 640 : i32
      %mul3A_19 = arith.muli %arg1, %mul3A_18 : i32
      "tpu.region"() ({
        %run_scoped3A = tpu.sem_alloc : memref<!tpu.dma_semaphore, #tpu.memory_space<semaphore_mem>>
        %dma_start3A = arith.constant 0 : i32
        %dma_start3A_20 = tpu.memref_slice %arg6[%mul3A_19, %dma_start3A] : memref<10240x128xf32, #tpu.memory_space<hbm>> -> memref<640x128xf32, #tpu.memory_space<hbm>>
        %dma_start3A_21 = arith.constant 0 : i32
        %dma_start3A_22 = tpu.memref_slice %arg10[%mul3A_17, %dma_start3A_21] : memref<10240x128xf32, #tpu.memory_space<vmem_shared>> -> memref<640x128xf32, #tpu.memory_space<vmem_shared>>
        tpu.enqueue_dma source(%dma_start3A_22 : memref<640x128xf32, #tpu.memory_space<vmem_shared>>) target(%dma_start3A_20 : memref<640x128xf32, #tpu.memory_space<hbm>>) target_semaphore(%run_scoped3A : memref<!tpu.dma_semaphore, #tpu.memory_space<semaphore_mem>>)
        %dma_wait3A = arith.constant 0 : i32
        %dma_wait3A_23 = tpu.memref_slice %arg6[%mul3A_19, %dma_wait3A] : memref<10240x128xf32, #tpu.memory_space<hbm>> -> memref<640x128xf32, #tpu.memory_space<hbm>>
        %dma_wait3A_24 = arith.constant 0 : i32
        %dma_wait3A_25 = tpu.memref_slice %arg10[%mul3A_17, %dma_wait3A_24] : memref<10240x128xf32, #tpu.memory_space<vmem_shared>> -> memref<640x128xf32, #tpu.memory_space<vmem_shared>>
        tpu.wait_dma2 semaphore(%run_scoped3A : memref<!tpu.dma_semaphore, #tpu.memory_space<semaphore_mem>>) src(%dma_wait3A_25 : memref<640x128xf32, #tpu.memory_space<vmem_shared>>) dst(%dma_wait3A_23 : memref<640x128xf32, #tpu.memory_space<hbm>>)
        tpu.yield
      }) : () -> ()
    } else {
    }
    %eq3A_3 = arith.constant 1 : i32
    %eq3A_4 = arith.cmpi eq, %arg0, %eq3A_3 : i32
    %convert_element_type3A_5 = arith.extui %eq3A_4 : i1 to i32
    %cond3A_6 = arith.constant 0 : i32
    %cond3A_7 = arith.cmpi ne, %convert_element_type3A_5, %cond3A_6 : i32
    scf.if %cond3A_7 {
      %mul3A_8 = arith.constant 20480 : i32
      %mul3A_9 = arith.muli %arg1, %mul3A_8 : i32
      %scan3A = arith.constant 0 : i32
      %scan3A_10 = arith.constant 0 : i32
      %scan3A_11 = arith.constant 160 : i32
      %scan3A_12 = arith.addi %scan3A_10, %scan3A_11 : i32
      %scan3A_13 = arith.constant 1 : i32
      scf.for %scan3A_20 = %scan3A_10 to %scan3A_12 step %scan3A_13  : i32 {
        %mul3A_21 = arith.constant 128 : i32
        %mul3A_22 = arith.muli %scan3A_20, %mul3A_21 : i32
        %add3A = arith.addi %mul3A_9, %mul3A_22 : i32
        "tpu.region"() ({
          %run_scoped3A = tpu.sem_alloc : memref<!tpu.dma_semaphore, #tpu.memory_space<semaphore_mem>>
          %dma_start3A = tpu.memref_slice %arg3[%add3A] : memref<327680xi32, #tpu.memory_space<hbm>> -> memref<128xi32, #tpu.memory_space<hbm>>
          %dma_start3A_23 = tpu.memref_slice %arg3[%add3A] : memref<327680xi32, #tpu.memory_space<hbm>> -> memref<128xi32, #tpu.memory_space<hbm>>
          tpu.enqueue_dma source(%dma_start3A_23 : memref<128xi32, #tpu.memory_space<hbm>>) target(%arg8 : memref<128xi32, #tpu.memory_space<vmem>>) target_semaphore(%run_scoped3A : memref<!tpu.dma_semaphore, #tpu.memory_space<semaphore_mem>>)
          %dma_wait3A = tpu.memref_slice %arg3[%add3A] : memref<327680xi32, #tpu.memory_space<hbm>> -> memref<128xi32, #tpu.memory_space<hbm>>
          %dma_wait3A_24 = tpu.memref_slice %arg3[%add3A] : memref<327680xi32, #tpu.memory_space<hbm>> -> memref<128xi32, #tpu.memory_space<hbm>>
          tpu.wait_dma2 semaphore(%run_scoped3A : memref<!tpu.dma_semaphore, #tpu.memory_space<semaphore_mem>>) src(%dma_wait3A_24 : memref<128xi32, #tpu.memory_space<hbm>>) dst(%arg8 : memref<128xi32, #tpu.memory_space<vmem>>)
          tpu.yield
        }) : () -> ()
        "tpu.region"() ({
          %run_scoped3A = tpu.sem_alloc : memref<!tpu.dma_semaphore, #tpu.memory_space<semaphore_mem>>
          %dma_start3A = arith.constant 0 : i32
          %dma_start3A_23 = arith.constant 0 : i32
          %dma_start3A_24 = tpu.memref_slice %arg10[%dma_start3A, %dma_start3A_23] : memref<10240x128xf32, #tpu.memory_space<vmem_shared>> -> memref<10240x128xf32, #tpu.memory_space<vmem_shared>>
          tpu.enqueue_indirect_dma source(%arg9 : memref<128x128xf32, #tpu.memory_space<vmem>>) target(%dma_start3A_24 : memref<10240x128xf32, #tpu.memory_space<vmem_shared>>) offsets(%arg8 : memref<128xi32, #tpu.memory_space<vmem>>) semaphore(%run_scoped3A : memref<!tpu.dma_semaphore, #tpu.memory_space<semaphore_mem>>) {add = true}
          %dma_wait3A = arith.constant 0 : i32
          %dma_wait3A_25 = arith.constant 0 : i32
          %dma_wait3A_26 = tpu.memref_slice %arg10[%dma_wait3A, %dma_wait3A_25] : memref<10240x128xf32, #tpu.memory_space<vmem_shared>> -> memref<10240x128xf32, #tpu.memory_space<vmem_shared>>
          tpu.wait_indirect_dma semaphore(%run_scoped3A : memref<!tpu.dma_semaphore, #tpu.memory_space<semaphore_mem>>) src(%arg9 : memref<128x128xf32, #tpu.memory_space<vmem>>) dst(%dma_wait3A_26 : memref<10240x128xf32, #tpu.memory_space<vmem_shared>>)
          tpu.yield
        }) : () -> ()
      }
      %scan3A_14 = arith.constant 160 : i32
      %barrier3A_15 = arith.constant 0 : index
      tpu.barrier barrier_id(%barrier3A_15)
      %mul3A_16 = arith.constant 640 : i32
      %mul3A_17 = arith.muli %arg1, %mul3A_16 : i32
      %mul3A_18 = arith.constant 640 : i32
      %mul3A_19 = arith.muli %arg1, %mul3A_18 : i32
      "tpu.region"() ({
        %run_scoped3A = tpu.sem_alloc : memref<!tpu.dma_semaphore, #tpu.memory_space<semaphore_mem>>
        %dma_start3A = arith.constant 0 : i32
        %dma_start3A_20 = tpu.memref_slice %arg7[%mul3A_19, %dma_start3A] : memref<10240x128xf32, #tpu.memory_space<hbm>> -> memref<640x128xf32, #tpu.memory_space<hbm>>
        %dma_start3A_21 = arith.constant 0 : i32
        %dma_start3A_22 = tpu.memref_slice %arg10[%mul3A_17, %dma_start3A_21] : memref<10240x128xf32, #tpu.memory_space<vmem_shared>> -> memref<640x128xf32, #tpu.memory_space<vmem_shared>>
        tpu.enqueue_dma source(%dma_start3A_22 : memref<640x128xf32, #tpu.memory_space<vmem_shared>>) target(%dma_start3A_20 : memref<640x128xf32, #tpu.memory_space<hbm>>) target_semaphore(%run_scoped3A : memref<!tpu.dma_semaphore, #tpu.memory_space<semaphore_mem>>)
        %dma_wait3A = arith.constant 0 : i32
        %dma_wait3A_23 = tpu.memref_slice %arg7[%mul3A_19, %dma_wait3A] : memref<10240x128xf32, #tpu.memory_space<hbm>> -> memref<640x128xf32, #tpu.memory_space<hbm>>
        %dma_wait3A_24 = arith.constant 0 : i32
        %dma_wait3A_25 = tpu.memref_slice %arg10[%mul3A_17, %dma_wait3A_24] : memref<10240x128xf32, #tpu.memory_space<vmem_shared>> -> memref<640x128xf32, #tpu.memory_space<vmem_shared>>
        tpu.wait_dma2 semaphore(%run_scoped3A : memref<!tpu.dma_semaphore, #tpu.memory_space<semaphore_mem>>) src(%dma_wait3A_25 : memref<640x128xf32, #tpu.memory_space<vmem_shared>>) dst(%dma_wait3A_23 : memref<640x128xf32, #tpu.memory_space<hbm>>)
        tpu.yield
      }) : () -> ()
    } else {
    }
    return
  }
}

#map = affine_map<(d0, d1) -> (0, 0)>
#map1 = affine_map<(d0, d1) -> (0)>
module attributes {stable_mosaic.version = 14 : i64} {
  func.func @_segsum_kernel(%arg0: i32, %arg1: i32, %arg2: memref<10000x128xf32, #tpu.memory_space<hbm>>, %arg3: memref<10000x128xf32, #tpu.memory_space<hbm>>, %arg4: memref<327680xi32, #tpu.memory_space<hbm>>, %arg5: memref<327680xi32, #tpu.memory_space<hbm>>, %arg6: memref<640x128xf32, #tpu.memory_space<hbm>>, %arg7: memref<10240x128xf32, #tpu.memory_space<hbm>>, %arg8: memref<10240x128xf32, #tpu.memory_space<hbm>>, %arg9: memref<128xi32, #tpu.memory_space<vmem>>, %arg10: memref<128xi32, #tpu.memory_space<vmem>>, %arg11: memref<128x128xf32, #tpu.memory_space<vmem>>, %arg12: memref<10240x128xf32, #tpu.memory_space<vmem_shared>>, %arg13: memref<!tpu.dma_semaphore, #tpu.memory_space<semaphore_mem>>) attributes {dimension_semantics = [#tpu.dimension_semantics<core_parallel>, #tpu.dimension_semantics<subcore_parallel>], iteration_bounds = array<i64: 2, 16>, scalar_prefetch = 0 : i64, scratch_operands = 5 : i64, tpu.core_type = #tpu.core_type<sc_vector_subcore>, window_params = [{transform_indices = #map}, {transform_indices = #map}, {transform_indices = #map1}, {transform_indices = #map1}, {transform_indices = #map}, {transform_indices = #map}, {transform_indices = #map}]} {
    %mul3A = arith.constant 640 : i32
    %mul3A_0 = arith.muli %arg1, %mul3A : i32
    "tpu.region"() ({
      %run_scoped3A = tpu.sem_alloc : memref<!tpu.dma_semaphore, #tpu.memory_space<semaphore_mem>>
      %dma_start3A = arith.constant 0 : i32
      %dma_start3A_8 = tpu.memref_slice %arg12[%mul3A_0, %dma_start3A] : memref<10240x128xf32, #tpu.memory_space<vmem_shared>> -> memref<640x128xf32, #tpu.memory_space<vmem_shared>>
      tpu.enqueue_dma source(%arg6 : memref<640x128xf32, #tpu.memory_space<hbm>>) target(%dma_start3A_8 : memref<640x128xf32, #tpu.memory_space<vmem_shared>>) target_semaphore(%run_scoped3A : memref<!tpu.dma_semaphore, #tpu.memory_space<semaphore_mem>>)
      %dma_wait3A = arith.constant 0 : i32
      %dma_wait3A_9 = tpu.memref_slice %arg12[%mul3A_0, %dma_wait3A] : memref<10240x128xf32, #tpu.memory_space<vmem_shared>> -> memref<640x128xf32, #tpu.memory_space<vmem_shared>>
      tpu.wait_dma2 semaphore(%run_scoped3A : memref<!tpu.dma_semaphore, #tpu.memory_space<semaphore_mem>>) src(%arg6 : memref<640x128xf32, #tpu.memory_space<hbm>>) dst(%dma_wait3A_9 : memref<640x128xf32, #tpu.memory_space<vmem_shared>>)
      tpu.yield
    }) : () -> ()
    %barrier3A = arith.constant 0 : index
    tpu.barrier barrier_id(%barrier3A)
    %eq3A = arith.constant 0 : i32
    %eq3A_1 = arith.cmpi eq, %arg0, %eq3A : i32
    %convert_element_type3A = arith.extui %eq3A_1 : i1 to i32
    %cond3A = arith.constant 0 : i32
    %cond3A_2 = arith.cmpi ne, %convert_element_type3A, %cond3A : i32
    scf.if %cond3A_2 {
      %mul3A_8 = arith.constant 20480 : i32
      %mul3A_9 = arith.muli %arg1, %mul3A_8 : i32
      %scan3A = arith.constant 0 : i32
      %scan3A_10 = arith.constant 0 : i32
      %scan3A_11 = arith.constant 160 : i32
      %scan3A_12 = arith.addi %scan3A_10, %scan3A_11 : i32
      %scan3A_13 = arith.constant 1 : i32
      scf.for %scan3A_20 = %scan3A_10 to %scan3A_12 step %scan3A_13  : i32 {
        %mul3A_21 = arith.constant 128 : i32
        %mul3A_22 = arith.muli %scan3A_20, %mul3A_21 : i32
        %add3A = arith.addi %mul3A_9, %mul3A_22 : i32
        "tpu.region"() ({
          %run_scoped3A = tpu.sem_alloc : memref<!tpu.dma_semaphore, #tpu.memory_space<semaphore_mem>>
          %dma_start3A_27 = tpu.memref_slice %arg4[%add3A] : memref<327680xi32, #tpu.memory_space<hbm>> -> memref<128xi32, #tpu.memory_space<hbm>>
          %dma_start3A_28 = tpu.memref_slice %arg4[%add3A] : memref<327680xi32, #tpu.memory_space<hbm>> -> memref<128xi32, #tpu.memory_space<hbm>>
          tpu.enqueue_dma source(%dma_start3A_28 : memref<128xi32, #tpu.memory_space<hbm>>) target(%arg9 : memref<128xi32, #tpu.memory_space<vmem>>) target_semaphore(%run_scoped3A : memref<!tpu.dma_semaphore, #tpu.memory_space<semaphore_mem>>)
          %dma_wait3A_29 = tpu.memref_slice %arg4[%add3A] : memref<327680xi32, #tpu.memory_space<hbm>> -> memref<128xi32, #tpu.memory_space<hbm>>
          %dma_wait3A_30 = tpu.memref_slice %arg4[%add3A] : memref<327680xi32, #tpu.memory_space<hbm>> -> memref<128xi32, #tpu.memory_space<hbm>>
          tpu.wait_dma2 semaphore(%run_scoped3A : memref<!tpu.dma_semaphore, #tpu.memory_space<semaphore_mem>>) src(%dma_wait3A_30 : memref<128xi32, #tpu.memory_space<hbm>>) dst(%arg9 : memref<128xi32, #tpu.memory_space<vmem>>)
          tpu.yield
        }) : () -> ()
        "tpu.region"() ({
          %run_scoped3A = tpu.sem_alloc : memref<!tpu.dma_semaphore, #tpu.memory_space<semaphore_mem>>
          %dma_start3A_27 = tpu.memref_slice %arg5[%add3A] : memref<327680xi32, #tpu.memory_space<hbm>> -> memref<128xi32, #tpu.memory_space<hbm>>
          %dma_start3A_28 = tpu.memref_slice %arg5[%add3A] : memref<327680xi32, #tpu.memory_space<hbm>> -> memref<128xi32, #tpu.memory_space<hbm>>
          tpu.enqueue_dma source(%dma_start3A_28 : memref<128xi32, #tpu.memory_space<hbm>>) target(%arg10 : memref<128xi32, #tpu.memory_space<vmem>>) target_semaphore(%run_scoped3A : memref<!tpu.dma_semaphore, #tpu.memory_space<semaphore_mem>>)
          %dma_wait3A_29 = tpu.memref_slice %arg5[%add3A] : memref<327680xi32, #tpu.memory_space<hbm>> -> memref<128xi32, #tpu.memory_space<hbm>>
          %dma_wait3A_30 = tpu.memref_slice %arg5[%add3A] : memref<327680xi32, #tpu.memory_space<hbm>> -> memref<128xi32, #tpu.memory_space<hbm>>
          tpu.wait_dma2 semaphore(%run_scoped3A : memref<!tpu.dma_semaphore, #tpu.memory_space<semaphore_mem>>) src(%dma_wait3A_30 : memref<128xi32, #tpu.memory_space<hbm>>) dst(%arg10 : memref<128xi32, #tpu.memory_space<vmem>>)
          tpu.yield
        }) : () -> ()
        %dma_start3A = arith.constant 0 : i32
        %dma_start3A_23 = arith.constant 0 : i32
        %dma_start3A_24 = tpu.memref_slice %arg2[%dma_start3A, %dma_start3A_23] : memref<10000x128xf32, #tpu.memory_space<hbm>> -> memref<10000x128xf32, #tpu.memory_space<hbm>>
        tpu.enqueue_indirect_dma source(%dma_start3A_24 : memref<10000x128xf32, #tpu.memory_space<hbm>>) target(%arg11 : memref<128x128xf32, #tpu.memory_space<vmem>>) offsets(%arg9 : memref<128xi32, #tpu.memory_space<vmem>>) semaphore(%arg13 : memref<!tpu.dma_semaphore, #tpu.memory_space<semaphore_mem>>)
        %dma_wait3A = arith.constant 0 : i32
        %dma_wait3A_25 = arith.constant 0 : i32
        %dma_wait3A_26 = tpu.memref_slice %arg2[%dma_wait3A, %dma_wait3A_25] : memref<10000x128xf32, #tpu.memory_space<hbm>> -> memref<10000x128xf32, #tpu.memory_space<hbm>>
        tpu.wait_indirect_dma semaphore(%arg13 : memref<!tpu.dma_semaphore, #tpu.memory_space<semaphore_mem>>) src(%dma_wait3A_26 : memref<10000x128xf32, #tpu.memory_space<hbm>>) dst(%arg11 : memref<128x128xf32, #tpu.memory_space<vmem>>)
        "tpu.region"() ({
          %run_scoped3A = tpu.sem_alloc : memref<!tpu.dma_semaphore, #tpu.memory_space<semaphore_mem>>
          %dma_start3A_27 = arith.constant 0 : i32
          %dma_start3A_28 = arith.constant 0 : i32
          %dma_start3A_29 = tpu.memref_slice %arg12[%dma_start3A_27, %dma_start3A_28] : memref<10240x128xf32, #tpu.memory_space<vmem_shared>> -> memref<10240x128xf32, #tpu.memory_space<vmem_shared>>
          tpu.enqueue_indirect_dma source(%arg11 : memref<128x128xf32, #tpu.memory_space<vmem>>) target(%dma_start3A_29 : memref<10240x128xf32, #tpu.memory_space<vmem_shared>>) offsets(%arg10 : memref<128xi32, #tpu.memory_space<vmem>>) semaphore(%run_scoped3A : memref<!tpu.dma_semaphore, #tpu.memory_space<semaphore_mem>>) {add = true}
          %dma_wait3A_30 = arith.constant 0 : i32
          %dma_wait3A_31 = arith.constant 0 : i32
          %dma_wait3A_32 = tpu.memref_slice %arg12[%dma_wait3A_30, %dma_wait3A_31] : memref<10240x128xf32, #tpu.memory_space<vmem_shared>> -> memref<10240x128xf32, #tpu.memory_space<vmem_shared>>
          tpu.wait_indirect_dma semaphore(%run_scoped3A : memref<!tpu.dma_semaphore, #tpu.memory_space<semaphore_mem>>) src(%arg11 : memref<128x128xf32, #tpu.memory_space<vmem>>) dst(%dma_wait3A_32 : memref<10240x128xf32, #tpu.memory_space<vmem_shared>>)
          tpu.yield
        }) : () -> ()
      }
      %scan3A_14 = arith.constant 160 : i32
      %barrier3A_15 = arith.constant 0 : index
      tpu.barrier barrier_id(%barrier3A_15)
      %mul3A_16 = arith.constant 640 : i32
      %mul3A_17 = arith.muli %arg1, %mul3A_16 : i32
      %mul3A_18 = arith.constant 640 : i32
      %mul3A_19 = arith.muli %arg1, %mul3A_18 : i32
      "tpu.region"() ({
        %run_scoped3A = tpu.sem_alloc : memref<!tpu.dma_semaphore, #tpu.memory_space<semaphore_mem>>
        %dma_start3A = arith.constant 0 : i32
        %dma_start3A_20 = tpu.memref_slice %arg7[%mul3A_19, %dma_start3A] : memref<10240x128xf32, #tpu.memory_space<hbm>> -> memref<640x128xf32, #tpu.memory_space<hbm>>
        %dma_start3A_21 = arith.constant 0 : i32
        %dma_start3A_22 = tpu.memref_slice %arg12[%mul3A_17, %dma_start3A_21] : memref<10240x128xf32, #tpu.memory_space<vmem_shared>> -> memref<640x128xf32, #tpu.memory_space<vmem_shared>>
        tpu.enqueue_dma source(%dma_start3A_22 : memref<640x128xf32, #tpu.memory_space<vmem_shared>>) target(%dma_start3A_20 : memref<640x128xf32, #tpu.memory_space<hbm>>) target_semaphore(%run_scoped3A : memref<!tpu.dma_semaphore, #tpu.memory_space<semaphore_mem>>)
        %dma_wait3A = arith.constant 0 : i32
        %dma_wait3A_23 = tpu.memref_slice %arg7[%mul3A_19, %dma_wait3A] : memref<10240x128xf32, #tpu.memory_space<hbm>> -> memref<640x128xf32, #tpu.memory_space<hbm>>
        %dma_wait3A_24 = arith.constant 0 : i32
        %dma_wait3A_25 = tpu.memref_slice %arg12[%mul3A_17, %dma_wait3A_24] : memref<10240x128xf32, #tpu.memory_space<vmem_shared>> -> memref<640x128xf32, #tpu.memory_space<vmem_shared>>
        tpu.wait_dma2 semaphore(%run_scoped3A : memref<!tpu.dma_semaphore, #tpu.memory_space<semaphore_mem>>) src(%dma_wait3A_25 : memref<640x128xf32, #tpu.memory_space<vmem_shared>>) dst(%dma_wait3A_23 : memref<640x128xf32, #tpu.memory_space<hbm>>)
        tpu.yield
      }) : () -> ()
    } else {
    }
    %eq3A_3 = arith.constant 1 : i32
    %eq3A_4 = arith.cmpi eq, %arg0, %eq3A_3 : i32
    %convert_element_type3A_5 = arith.extui %eq3A_4 : i1 to i32
    %cond3A_6 = arith.constant 0 : i32
    %cond3A_7 = arith.cmpi ne, %convert_element_type3A_5, %cond3A_6 : i32
    scf.if %cond3A_7 {
      %mul3A_8 = arith.constant 20480 : i32
      %mul3A_9 = arith.muli %arg1, %mul3A_8 : i32
      %scan3A = arith.constant 0 : i32
      %scan3A_10 = arith.constant 0 : i32
      %scan3A_11 = arith.constant 160 : i32
      %scan3A_12 = arith.addi %scan3A_10, %scan3A_11 : i32
      %scan3A_13 = arith.constant 1 : i32
      scf.for %scan3A_20 = %scan3A_10 to %scan3A_12 step %scan3A_13  : i32 {
        %mul3A_21 = arith.constant 128 : i32
        %mul3A_22 = arith.muli %scan3A_20, %mul3A_21 : i32
        %add3A = arith.addi %mul3A_9, %mul3A_22 : i32
        "tpu.region"() ({
          %run_scoped3A = tpu.sem_alloc : memref<!tpu.dma_semaphore, #tpu.memory_space<semaphore_mem>>
          %dma_start3A_27 = tpu.memref_slice %arg4[%add3A] : memref<327680xi32, #tpu.memory_space<hbm>> -> memref<128xi32, #tpu.memory_space<hbm>>
          %dma_start3A_28 = tpu.memref_slice %arg4[%add3A] : memref<327680xi32, #tpu.memory_space<hbm>> -> memref<128xi32, #tpu.memory_space<hbm>>
          tpu.enqueue_dma source(%dma_start3A_28 : memref<128xi32, #tpu.memory_space<hbm>>) target(%arg9 : memref<128xi32, #tpu.memory_space<vmem>>) target_semaphore(%run_scoped3A : memref<!tpu.dma_semaphore, #tpu.memory_space<semaphore_mem>>)
          %dma_wait3A_29 = tpu.memref_slice %arg4[%add3A] : memref<327680xi32, #tpu.memory_space<hbm>> -> memref<128xi32, #tpu.memory_space<hbm>>
          %dma_wait3A_30 = tpu.memref_slice %arg4[%add3A] : memref<327680xi32, #tpu.memory_space<hbm>> -> memref<128xi32, #tpu.memory_space<hbm>>
          tpu.wait_dma2 semaphore(%run_scoped3A : memref<!tpu.dma_semaphore, #tpu.memory_space<semaphore_mem>>) src(%dma_wait3A_30 : memref<128xi32, #tpu.memory_space<hbm>>) dst(%arg9 : memref<128xi32, #tpu.memory_space<vmem>>)
          tpu.yield
        }) : () -> ()
        "tpu.region"() ({
          %run_scoped3A = tpu.sem_alloc : memref<!tpu.dma_semaphore, #tpu.memory_space<semaphore_mem>>
          %dma_start3A_27 = tpu.memref_slice %arg5[%add3A] : memref<327680xi32, #tpu.memory_space<hbm>> -> memref<128xi32, #tpu.memory_space<hbm>>
          %dma_start3A_28 = tpu.memref_slice %arg5[%add3A] : memref<327680xi32, #tpu.memory_space<hbm>> -> memref<128xi32, #tpu.memory_space<hbm>>
          tpu.enqueue_dma source(%dma_start3A_28 : memref<128xi32, #tpu.memory_space<hbm>>) target(%arg10 : memref<128xi32, #tpu.memory_space<vmem>>) target_semaphore(%run_scoped3A : memref<!tpu.dma_semaphore, #tpu.memory_space<semaphore_mem>>)
          %dma_wait3A_29 = tpu.memref_slice %arg5[%add3A] : memref<327680xi32, #tpu.memory_space<hbm>> -> memref<128xi32, #tpu.memory_space<hbm>>
          %dma_wait3A_30 = tpu.memref_slice %arg5[%add3A] : memref<327680xi32, #tpu.memory_space<hbm>> -> memref<128xi32, #tpu.memory_space<hbm>>
          tpu.wait_dma2 semaphore(%run_scoped3A : memref<!tpu.dma_semaphore, #tpu.memory_space<semaphore_mem>>) src(%dma_wait3A_30 : memref<128xi32, #tpu.memory_space<hbm>>) dst(%arg10 : memref<128xi32, #tpu.memory_space<vmem>>)
          tpu.yield
        }) : () -> ()
        %dma_start3A = arith.constant 0 : i32
        %dma_start3A_23 = arith.constant 0 : i32
        %dma_start3A_24 = tpu.memref_slice %arg3[%dma_start3A, %dma_start3A_23] : memref<10000x128xf32, #tpu.memory_space<hbm>> -> memref<10000x128xf32, #tpu.memory_space<hbm>>
        tpu.enqueue_indirect_dma source(%dma_start3A_24 : memref<10000x128xf32, #tpu.memory_space<hbm>>) target(%arg11 : memref<128x128xf32, #tpu.memory_space<vmem>>) offsets(%arg9 : memref<128xi32, #tpu.memory_space<vmem>>) semaphore(%arg13 : memref<!tpu.dma_semaphore, #tpu.memory_space<semaphore_mem>>)
        %dma_wait3A = arith.constant 0 : i32
        %dma_wait3A_25 = arith.constant 0 : i32
        %dma_wait3A_26 = tpu.memref_slice %arg3[%dma_wait3A, %dma_wait3A_25] : memref<10000x128xf32, #tpu.memory_space<hbm>> -> memref<10000x128xf32, #tpu.memory_space<hbm>>
        tpu.wait_indirect_dma semaphore(%arg13 : memref<!tpu.dma_semaphore, #tpu.memory_space<semaphore_mem>>) src(%dma_wait3A_26 : memref<10000x128xf32, #tpu.memory_space<hbm>>) dst(%arg11 : memref<128x128xf32, #tpu.memory_space<vmem>>)
        "tpu.region"() ({
          %run_scoped3A = tpu.sem_alloc : memref<!tpu.dma_semaphore, #tpu.memory_space<semaphore_mem>>
          %dma_start3A_27 = arith.constant 0 : i32
          %dma_start3A_28 = arith.constant 0 : i32
          %dma_start3A_29 = tpu.memref_slice %arg12[%dma_start3A_27, %dma_start3A_28] : memref<10240x128xf32, #tpu.memory_space<vmem_shared>> -> memref<10240x128xf32, #tpu.memory_space<vmem_shared>>
          tpu.enqueue_indirect_dma source(%arg11 : memref<128x128xf32, #tpu.memory_space<vmem>>) target(%dma_start3A_29 : memref<10240x128xf32, #tpu.memory_space<vmem_shared>>) offsets(%arg10 : memref<128xi32, #tpu.memory_space<vmem>>) semaphore(%run_scoped3A : memref<!tpu.dma_semaphore, #tpu.memory_space<semaphore_mem>>) {add = true}
          %dma_wait3A_30 = arith.constant 0 : i32
          %dma_wait3A_31 = arith.constant 0 : i32
          %dma_wait3A_32 = tpu.memref_slice %arg12[%dma_wait3A_30, %dma_wait3A_31] : memref<10240x128xf32, #tpu.memory_space<vmem_shared>> -> memref<10240x128xf32, #tpu.memory_space<vmem_shared>>
          tpu.wait_indirect_dma semaphore(%run_scoped3A : memref<!tpu.dma_semaphore, #tpu.memory_space<semaphore_mem>>) src(%arg11 : memref<128x128xf32, #tpu.memory_space<vmem>>) dst(%dma_wait3A_32 : memref<10240x128xf32, #tpu.memory_space<vmem_shared>>)
          tpu.yield
        }) : () -> ()
      }
      %scan3A_14 = arith.constant 160 : i32
      %barrier3A_15 = arith.constant 0 : index
      tpu.barrier barrier_id(%barrier3A_15)
      %mul3A_16 = arith.constant 640 : i32
      %mul3A_17 = arith.muli %arg1, %mul3A_16 : i32
      %mul3A_18 = arith.constant 640 : i32
      %mul3A_19 = arith.muli %arg1, %mul3A_18 : i32
      "tpu.region"() ({
        %run_scoped3A = tpu.sem_alloc : memref<!tpu.dma_semaphore, #tpu.memory_space<semaphore_mem>>
        %dma_start3A = arith.constant 0 : i32
        %dma_start3A_20 = tpu.memref_slice %arg8[%mul3A_19, %dma_start3A] : memref<10240x128xf32, #tpu.memory_space<hbm>> -> memref<640x128xf32, #tpu.memory_space<hbm>>
        %dma_start3A_21 = arith.constant 0 : i32
        %dma_start3A_22 = tpu.memref_slice %arg12[%mul3A_17, %dma_start3A_21] : memref<10240x128xf32, #tpu.memory_space<vmem_shared>> -> memref<640x128xf32, #tpu.memory_space<vmem_shared>>
        tpu.enqueue_dma source(%dma_start3A_22 : memref<640x128xf32, #tpu.memory_space<vmem_shared>>) target(%dma_start3A_20 : memref<640x128xf32, #tpu.memory_space<hbm>>) target_semaphore(%run_scoped3A : memref<!tpu.dma_semaphore, #tpu.memory_space<semaphore_mem>>)
        %dma_wait3A = arith.constant 0 : i32
        %dma_wait3A_23 = tpu.memref_slice %arg8[%mul3A_19, %dma_wait3A] : memref<10240x128xf32, #tpu.memory_space<hbm>> -> memref<640x128xf32, #tpu.memory_space<hbm>>
        %dma_wait3A_24 = arith.constant 0 : i32
        %dma_wait3A_25 = tpu.memref_slice %arg12[%mul3A_17, %dma_wait3A_24] : memref<10240x128xf32, #tpu.memory_space<vmem_shared>> -> memref<640x128xf32, #tpu.memory_space<vmem_shared>>
        tpu.wait_dma2 semaphore(%run_scoped3A : memref<!tpu.dma_semaphore, #tpu.memory_space<semaphore_mem>>) src(%dma_wait3A_25 : memref<640x128xf32, #tpu.memory_space<vmem_shared>>) dst(%dma_wait3A_23 : memref<640x128xf32, #tpu.memory_space<hbm>>)
        tpu.yield
      }) : () -> ()
    } else {
    }
    return
  }
}

#map = affine_map<(d0, d1) -> (0, 0)>
#map1 = affine_map<(d0, d1) -> (0)>
module attributes {stable_mosaic.version = 14 : i64} {
  func.func @_segsum_kernel(%arg0: i32, %arg1: i32, %arg2: memref<10000x128xf32, #tpu.memory_space<hbm>>, %arg3: memref<10000x128xf32, #tpu.memory_space<hbm>>, %arg4: memref<327680xi32, #tpu.memory_space<hbm>>, %arg5: memref<327680xi32, #tpu.memory_space<hbm>>, %arg6: memref<640x128xf32, #tpu.memory_space<hbm>>, %arg7: memref<10240x128xf32, #tpu.memory_space<hbm>>, %arg8: memref<10240x128xf32, #tpu.memory_space<hbm>>, %arg9: memref<128xi32, #tpu.memory_space<vmem>>, %arg10: memref<128xi32, #tpu.memory_space<vmem>>, %arg11: memref<128x128xf32, #tpu.memory_space<vmem>>, %arg12: memref<10240x128xf32, #tpu.memory_space<vmem_shared>>, %arg13: memref<!tpu.dma_semaphore, #tpu.memory_space<semaphore_mem>>) attributes {dimension_semantics = [#tpu.dimension_semantics<core_parallel>, #tpu.dimension_semantics<subcore_parallel>], iteration_bounds = array<i64: 2, 16>, scalar_prefetch = 0 : i64, scratch_operands = 5 : i64, tpu.core_type = #tpu.core_type<sc_vector_subcore>, window_params = [{transform_indices = #map}, {transform_indices = #map}, {transform_indices = #map1}, {transform_indices = #map1}, {transform_indices = #map}, {transform_indices = #map}, {transform_indices = #map}]} {
    %mul3A = arith.constant 640 : i32
    %mul3A_0 = arith.muli %arg1, %mul3A : i32
    "tpu.region"() ({
      %run_scoped3A = tpu.sem_alloc : memref<!tpu.dma_semaphore, #tpu.memory_space<semaphore_mem>>
      %dma_start3A = arith.constant 0 : i32
      %dma_start3A_8 = tpu.memref_slice %arg12[%mul3A_0, %dma_start3A] : memref<10240x128xf32, #tpu.memory_space<vmem_shared>> -> memref<640x128xf32, #tpu.memory_space<vmem_shared>>
      tpu.enqueue_dma source(%arg6 : memref<640x128xf32, #tpu.memory_space<hbm>>) target(%dma_start3A_8 : memref<640x128xf32, #tpu.memory_space<vmem_shared>>) target_semaphore(%run_scoped3A : memref<!tpu.dma_semaphore, #tpu.memory_space<semaphore_mem>>)
      %dma_wait3A = arith.constant 0 : i32
      %dma_wait3A_9 = tpu.memref_slice %arg12[%mul3A_0, %dma_wait3A] : memref<10240x128xf32, #tpu.memory_space<vmem_shared>> -> memref<640x128xf32, #tpu.memory_space<vmem_shared>>
      tpu.wait_dma2 semaphore(%run_scoped3A : memref<!tpu.dma_semaphore, #tpu.memory_space<semaphore_mem>>) src(%arg6 : memref<640x128xf32, #tpu.memory_space<hbm>>) dst(%dma_wait3A_9 : memref<640x128xf32, #tpu.memory_space<vmem_shared>>)
      tpu.yield
    }) : () -> ()
    %barrier3A = arith.constant 0 : index
    tpu.barrier barrier_id(%barrier3A)
    %eq3A = arith.constant 0 : i32
    %eq3A_1 = arith.cmpi eq, %arg0, %eq3A : i32
    %convert_element_type3A = arith.extui %eq3A_1 : i1 to i32
    %cond3A = arith.constant 0 : i32
    %cond3A_2 = arith.cmpi ne, %convert_element_type3A, %cond3A : i32
    scf.if %cond3A_2 {
      %mul3A_8 = arith.constant 20480 : i32
      %mul3A_9 = arith.muli %arg1, %mul3A_8 : i32
      %scan3A = arith.constant 0 : i32
      %scan3A_10 = arith.constant 0 : i32
      %scan3A_11 = arith.constant 160 : i32
      %scan3A_12 = arith.addi %scan3A_10, %scan3A_11 : i32
      %scan3A_13 = arith.constant 1 : i32
      scf.for %scan3A_20 = %scan3A_10 to %scan3A_12 step %scan3A_13  : i32 {
        %mul3A_21 = arith.constant 128 : i32
        %mul3A_22 = arith.muli %scan3A_20, %mul3A_21 : i32
        %add3A = arith.addi %mul3A_9, %mul3A_22 : i32
        "tpu.region"() ({
          %run_scoped3A = tpu.sem_alloc : memref<!tpu.dma_semaphore, #tpu.memory_space<semaphore_mem>>
          %dma_start3A_27 = tpu.memref_slice %arg4[%add3A] : memref<327680xi32, #tpu.memory_space<hbm>> -> memref<128xi32, #tpu.memory_space<hbm>>
          %dma_start3A_28 = tpu.memref_slice %arg4[%add3A] : memref<327680xi32, #tpu.memory_space<hbm>> -> memref<128xi32, #tpu.memory_space<hbm>>
          tpu.enqueue_dma source(%dma_start3A_28 : memref<128xi32, #tpu.memory_space<hbm>>) target(%arg9 : memref<128xi32, #tpu.memory_space<vmem>>) target_semaphore(%run_scoped3A : memref<!tpu.dma_semaphore, #tpu.memory_space<semaphore_mem>>)
          %dma_wait3A_29 = tpu.memref_slice %arg4[%add3A] : memref<327680xi32, #tpu.memory_space<hbm>> -> memref<128xi32, #tpu.memory_space<hbm>>
          %dma_wait3A_30 = tpu.memref_slice %arg4[%add3A] : memref<327680xi32, #tpu.memory_space<hbm>> -> memref<128xi32, #tpu.memory_space<hbm>>
          tpu.wait_dma2 semaphore(%run_scoped3A : memref<!tpu.dma_semaphore, #tpu.memory_space<semaphore_mem>>) src(%dma_wait3A_30 : memref<128xi32, #tpu.memory_space<hbm>>) dst(%arg9 : memref<128xi32, #tpu.memory_space<vmem>>)
          tpu.yield
        }) : () -> ()
        "tpu.region"() ({
          %run_scoped3A = tpu.sem_alloc : memref<!tpu.dma_semaphore, #tpu.memory_space<semaphore_mem>>
          %dma_start3A_27 = tpu.memref_slice %arg5[%add3A] : memref<327680xi32, #tpu.memory_space<hbm>> -> memref<128xi32, #tpu.memory_space<hbm>>
          %dma_start3A_28 = tpu.memref_slice %arg5[%add3A] : memref<327680xi32, #tpu.memory_space<hbm>> -> memref<128xi32, #tpu.memory_space<hbm>>
          tpu.enqueue_dma source(%dma_start3A_28 : memref<128xi32, #tpu.memory_space<hbm>>) target(%arg10 : memref<128xi32, #tpu.memory_space<vmem>>) target_semaphore(%run_scoped3A : memref<!tpu.dma_semaphore, #tpu.memory_space<semaphore_mem>>)
          %dma_wait3A_29 = tpu.memref_slice %arg5[%add3A] : memref<327680xi32, #tpu.memory_space<hbm>> -> memref<128xi32, #tpu.memory_space<hbm>>
          %dma_wait3A_30 = tpu.memref_slice %arg5[%add3A] : memref<327680xi32, #tpu.memory_space<hbm>> -> memref<128xi32, #tpu.memory_space<hbm>>
          tpu.wait_dma2 semaphore(%run_scoped3A : memref<!tpu.dma_semaphore, #tpu.memory_space<semaphore_mem>>) src(%dma_wait3A_30 : memref<128xi32, #tpu.memory_space<hbm>>) dst(%arg10 : memref<128xi32, #tpu.memory_space<vmem>>)
          tpu.yield
        }) : () -> ()
        %dma_start3A = arith.constant 0 : i32
        %dma_start3A_23 = arith.constant 0 : i32
        %dma_start3A_24 = tpu.memref_slice %arg2[%dma_start3A, %dma_start3A_23] : memref<10000x128xf32, #tpu.memory_space<hbm>> -> memref<10000x128xf32, #tpu.memory_space<hbm>>
        tpu.enqueue_indirect_dma source(%dma_start3A_24 : memref<10000x128xf32, #tpu.memory_space<hbm>>) target(%arg11 : memref<128x128xf32, #tpu.memory_space<vmem>>) offsets(%arg9 : memref<128xi32, #tpu.memory_space<vmem>>) semaphore(%arg13 : memref<!tpu.dma_semaphore, #tpu.memory_space<semaphore_mem>>)
        %dma_wait3A = arith.constant 0 : i32
        %dma_wait3A_25 = arith.constant 0 : i32
        %dma_wait3A_26 = tpu.memref_slice %arg2[%dma_wait3A, %dma_wait3A_25] : memref<10000x128xf32, #tpu.memory_space<hbm>> -> memref<10000x128xf32, #tpu.memory_space<hbm>>
        tpu.wait_indirect_dma semaphore(%arg13 : memref<!tpu.dma_semaphore, #tpu.memory_space<semaphore_mem>>) src(%dma_wait3A_26 : memref<10000x128xf32, #tpu.memory_space<hbm>>) dst(%arg11 : memref<128x128xf32, #tpu.memory_space<vmem>>)
        "tpu.region"() ({
          %run_scoped3A = tpu.sem_alloc : memref<!tpu.dma_semaphore, #tpu.memory_space<semaphore_mem>>
          %dma_start3A_27 = arith.constant 0 : i32
          %dma_start3A_28 = arith.constant 0 : i32
          %dma_start3A_29 = tpu.memref_slice %arg12[%dma_start3A_27, %dma_start3A_28] : memref<10240x128xf32, #tpu.memory_space<vmem_shared>> -> memref<10240x128xf32, #tpu.memory_space<vmem_shared>>
          tpu.enqueue_indirect_dma source(%arg11 : memref<128x128xf32, #tpu.memory_space<vmem>>) target(%dma_start3A_29 : memref<10240x128xf32, #tpu.memory_space<vmem_shared>>) offsets(%arg10 : memref<128xi32, #tpu.memory_space<vmem>>) semaphore(%run_scoped3A : memref<!tpu.dma_semaphore, #tpu.memory_space<semaphore_mem>>) {add = true}
          %dma_wait3A_30 = arith.constant 0 : i32
          %dma_wait3A_31 = arith.constant 0 : i32
          %dma_wait3A_32 = tpu.memref_slice %arg12[%dma_wait3A_30, %dma_wait3A_31] : memref<10240x128xf32, #tpu.memory_space<vmem_shared>> -> memref<10240x128xf32, #tpu.memory_space<vmem_shared>>
          tpu.wait_indirect_dma semaphore(%run_scoped3A : memref<!tpu.dma_semaphore, #tpu.memory_space<semaphore_mem>>) src(%arg11 : memref<128x128xf32, #tpu.memory_space<vmem>>) dst(%dma_wait3A_32 : memref<10240x128xf32, #tpu.memory_space<vmem_shared>>)
          tpu.yield
        }) : () -> ()
      }
      %scan3A_14 = arith.constant 160 : i32
      %barrier3A_15 = arith.constant 0 : index
      tpu.barrier barrier_id(%barrier3A_15)
      %mul3A_16 = arith.constant 640 : i32
      %mul3A_17 = arith.muli %arg1, %mul3A_16 : i32
      %mul3A_18 = arith.constant 640 : i32
      %mul3A_19 = arith.muli %arg1, %mul3A_18 : i32
      "tpu.region"() ({
        %run_scoped3A = tpu.sem_alloc : memref<!tpu.dma_semaphore, #tpu.memory_space<semaphore_mem>>
        %dma_start3A = arith.constant 0 : i32
        %dma_start3A_20 = tpu.memref_slice %arg7[%mul3A_19, %dma_start3A] : memref<10240x128xf32, #tpu.memory_space<hbm>> -> memref<640x128xf32, #tpu.memory_space<hbm>>
        %dma_start3A_21 = arith.constant 0 : i32
        %dma_start3A_22 = tpu.memref_slice %arg12[%mul3A_17, %dma_start3A_21] : memref<10240x128xf32, #tpu.memory_space<vmem_shared>> -> memref<640x128xf32, #tpu.memory_space<vmem_shared>>
        tpu.enqueue_dma source(%dma_start3A_22 : memref<640x128xf32, #tpu.memory_space<vmem_shared>>) target(%dma_start3A_20 : memref<640x128xf32, #tpu.memory_space<hbm>>) target_semaphore(%run_scoped3A : memref<!tpu.dma_semaphore, #tpu.memory_space<semaphore_mem>>)
        %dma_wait3A = arith.constant 0 : i32
        %dma_wait3A_23 = tpu.memref_slice %arg7[%mul3A_19, %dma_wait3A] : memref<10240x128xf32, #tpu.memory_space<hbm>> -> memref<640x128xf32, #tpu.memory_space<hbm>>
        %dma_wait3A_24 = arith.constant 0 : i32
        %dma_wait3A_25 = tpu.memref_slice %arg12[%mul3A_17, %dma_wait3A_24] : memref<10240x128xf32, #tpu.memory_space<vmem_shared>> -> memref<640x128xf32, #tpu.memory_space<vmem_shared>>
        tpu.wait_dma2 semaphore(%run_scoped3A : memref<!tpu.dma_semaphore, #tpu.memory_space<semaphore_mem>>) src(%dma_wait3A_25 : memref<640x128xf32, #tpu.memory_space<vmem_shared>>) dst(%dma_wait3A_23 : memref<640x128xf32, #tpu.memory_space<hbm>>)
        tpu.yield
      }) : () -> ()
    } else {
    }
    %eq3A_3 = arith.constant 1 : i32
    %eq3A_4 = arith.cmpi eq, %arg0, %eq3A_3 : i32
    %convert_element_type3A_5 = arith.extui %eq3A_4 : i1 to i32
    %cond3A_6 = arith.constant 0 : i32
    %cond3A_7 = arith.cmpi ne, %convert_element_type3A_5, %cond3A_6 : i32
    scf.if %cond3A_7 {
      %mul3A_8 = arith.constant 20480 : i32
      %mul3A_9 = arith.muli %arg1, %mul3A_8 : i32
      %scan3A = arith.constant 0 : i32
      %scan3A_10 = arith.constant 0 : i32
      %scan3A_11 = arith.constant 160 : i32
      %scan3A_12 = arith.addi %scan3A_10, %scan3A_11 : i32
      %scan3A_13 = arith.constant 1 : i32
      scf.for %scan3A_20 = %scan3A_10 to %scan3A_12 step %scan3A_13  : i32 {
        %mul3A_21 = arith.constant 128 : i32
        %mul3A_22 = arith.muli %scan3A_20, %mul3A_21 : i32
        %add3A = arith.addi %mul3A_9, %mul3A_22 : i32
        "tpu.region"() ({
          %run_scoped3A = tpu.sem_alloc : memref<!tpu.dma_semaphore, #tpu.memory_space<semaphore_mem>>
          %dma_start3A_27 = tpu.memref_slice %arg4[%add3A] : memref<327680xi32, #tpu.memory_space<hbm>> -> memref<128xi32, #tpu.memory_space<hbm>>
          %dma_start3A_28 = tpu.memref_slice %arg4[%add3A] : memref<327680xi32, #tpu.memory_space<hbm>> -> memref<128xi32, #tpu.memory_space<hbm>>
          tpu.enqueue_dma source(%dma_start3A_28 : memref<128xi32, #tpu.memory_space<hbm>>) target(%arg9 : memref<128xi32, #tpu.memory_space<vmem>>) target_semaphore(%run_scoped3A : memref<!tpu.dma_semaphore, #tpu.memory_space<semaphore_mem>>)
          %dma_wait3A_29 = tpu.memref_slice %arg4[%add3A] : memref<327680xi32, #tpu.memory_space<hbm>> -> memref<128xi32, #tpu.memory_space<hbm>>
          %dma_wait3A_30 = tpu.memref_slice %arg4[%add3A] : memref<327680xi32, #tpu.memory_space<hbm>> -> memref<128xi32, #tpu.memory_space<hbm>>
          tpu.wait_dma2 semaphore(%run_scoped3A : memref<!tpu.dma_semaphore, #tpu.memory_space<semaphore_mem>>) src(%dma_wait3A_30 : memref<128xi32, #tpu.memory_space<hbm>>) dst(%arg9 : memref<128xi32, #tpu.memory_space<vmem>>)
          tpu.yield
        }) : () -> ()
        "tpu.region"() ({
          %run_scoped3A = tpu.sem_alloc : memref<!tpu.dma_semaphore, #tpu.memory_space<semaphore_mem>>
          %dma_start3A_27 = tpu.memref_slice %arg5[%add3A] : memref<327680xi32, #tpu.memory_space<hbm>> -> memref<128xi32, #tpu.memory_space<hbm>>
          %dma_start3A_28 = tpu.memref_slice %arg5[%add3A] : memref<327680xi32, #tpu.memory_space<hbm>> -> memref<128xi32, #tpu.memory_space<hbm>>
          tpu.enqueue_dma source(%dma_start3A_28 : memref<128xi32, #tpu.memory_space<hbm>>) target(%arg10 : memref<128xi32, #tpu.memory_space<vmem>>) target_semaphore(%run_scoped3A : memref<!tpu.dma_semaphore, #tpu.memory_space<semaphore_mem>>)
          %dma_wait3A_29 = tpu.memref_slice %arg5[%add3A] : memref<327680xi32, #tpu.memory_space<hbm>> -> memref<128xi32, #tpu.memory_space<hbm>>
          %dma_wait3A_30 = tpu.memref_slice %arg5[%add3A] : memref<327680xi32, #tpu.memory_space<hbm>> -> memref<128xi32, #tpu.memory_space<hbm>>
          tpu.wait_dma2 semaphore(%run_scoped3A : memref<!tpu.dma_semaphore, #tpu.memory_space<semaphore_mem>>) src(%dma_wait3A_30 : memref<128xi32, #tpu.memory_space<hbm>>) dst(%arg10 : memref<128xi32, #tpu.memory_space<vmem>>)
          tpu.yield
        }) : () -> ()
        %dma_start3A = arith.constant 0 : i32
        %dma_start3A_23 = arith.constant 0 : i32
        %dma_start3A_24 = tpu.memref_slice %arg3[%dma_start3A, %dma_start3A_23] : memref<10000x128xf32, #tpu.memory_space<hbm>> -> memref<10000x128xf32, #tpu.memory_space<hbm>>
        tpu.enqueue_indirect_dma source(%dma_start3A_24 : memref<10000x128xf32, #tpu.memory_space<hbm>>) target(%arg11 : memref<128x128xf32, #tpu.memory_space<vmem>>) offsets(%arg9 : memref<128xi32, #tpu.memory_space<vmem>>) semaphore(%arg13 : memref<!tpu.dma_semaphore, #tpu.memory_space<semaphore_mem>>)
        %dma_wait3A = arith.constant 0 : i32
        %dma_wait3A_25 = arith.constant 0 : i32
        %dma_wait3A_26 = tpu.memref_slice %arg3[%dma_wait3A, %dma_wait3A_25] : memref<10000x128xf32, #tpu.memory_space<hbm>> -> memref<10000x128xf32, #tpu.memory_space<hbm>>
        tpu.wait_indirect_dma semaphore(%arg13 : memref<!tpu.dma_semaphore, #tpu.memory_space<semaphore_mem>>) src(%dma_wait3A_26 : memref<10000x128xf32, #tpu.memory_space<hbm>>) dst(%arg11 : memref<128x128xf32, #tpu.memory_space<vmem>>)
        "tpu.region"() ({
          %run_scoped3A = tpu.sem_alloc : memref<!tpu.dma_semaphore, #tpu.memory_space<semaphore_mem>>
          %dma_start3A_27 = arith.constant 0 : i32
          %dma_start3A_28 = arith.constant 0 : i32
          %dma_start3A_29 = tpu.memref_slice %arg12[%dma_start3A_27, %dma_start3A_28] : memref<10240x128xf32, #tpu.memory_space<vmem_shared>> -> memref<10240x128xf32, #tpu.memory_space<vmem_shared>>
          tpu.enqueue_indirect_dma source(%arg11 : memref<128x128xf32, #tpu.memory_space<vmem>>) target(%dma_start3A_29 : memref<10240x128xf32, #tpu.memory_space<vmem_shared>>) offsets(%arg10 : memref<128xi32, #tpu.memory_space<vmem>>) semaphore(%run_scoped3A : memref<!tpu.dma_semaphore, #tpu.memory_space<semaphore_mem>>) {add = true}
          %dma_wait3A_30 = arith.constant 0 : i32
          %dma_wait3A_31 = arith.constant 0 : i32
          %dma_wait3A_32 = tpu.memref_slice %arg12[%dma_wait3A_30, %dma_wait3A_31] : memref<10240x128xf32, #tpu.memory_space<vmem_shared>> -> memref<10240x128xf32, #tpu.memory_space<vmem_shared>>
          tpu.wait_indirect_dma semaphore(%run_scoped3A : memref<!tpu.dma_semaphore, #tpu.memory_space<semaphore_mem>>) src(%arg11 : memref<128x128xf32, #tpu.memory_space<vmem>>) dst(%dma_wait3A_32 : memref<10240x128xf32, #tpu.memory_space<vmem_shared>>)
          tpu.yield
        }) : () -> ()
      }
      %scan3A_14 = arith.constant 160 : i32
      %barrier3A_15 = arith.constant 0 : index
      tpu.barrier barrier_id(%barrier3A_15)
      %mul3A_16 = arith.constant 640 : i32
      %mul3A_17 = arith.muli %arg1, %mul3A_16 : i32
      %mul3A_18 = arith.constant 640 : i32
      %mul3A_19 = arith.muli %arg1, %mul3A_18 : i32
      "tpu.region"() ({
        %run_scoped3A = tpu.sem_alloc : memref<!tpu.dma_semaphore, #tpu.memory_space<semaphore_mem>>
        %dma_start3A = arith.constant 0 : i32
        %dma_start3A_20 = tpu.memref_slice %arg8[%mul3A_19, %dma_start3A] : memref<10240x128xf32, #tpu.memory_space<hbm>> -> memref<640x128xf32, #tpu.memory_space<hbm>>
        %dma_start3A_21 = arith.constant 0 : i32
        %dma_start3A_22 = tpu.memref_slice %arg12[%mul3A_17, %dma_start3A_21] : memref<10240x128xf32, #tpu.memory_space<vmem_shared>> -> memref<640x128xf32, #tpu.memory_space<vmem_shared>>
        tpu.enqueue_dma source(%dma_start3A_22 : memref<640x128xf32, #tpu.memory_space<vmem_shared>>) target(%dma_start3A_20 : memref<640x128xf32, #tpu.memory_space<hbm>>) target_semaphore(%run_scoped3A : memref<!tpu.dma_semaphore, #tpu.memory_space<semaphore_mem>>)
        %dma_wait3A = arith.constant 0 : i32
        %dma_wait3A_23 = tpu.memref_slice %arg8[%mul3A_19, %dma_wait3A] : memref<10240x128xf32, #tpu.memory_space<hbm>> -> memref<640x128xf32, #tpu.memory_space<hbm>>
        %dma_wait3A_24 = arith.constant 0 : i32
        %dma_wait3A_25 = tpu.memref_slice %arg12[%mul3A_17, %dma_wait3A_24] : memref<10240x128xf32, #tpu.memory_space<vmem_shared>> -> memref<640x128xf32, #tpu.memory_space<vmem_shared>>
        tpu.wait_dma2 semaphore(%run_scoped3A : memref<!tpu.dma_semaphore, #tpu.memory_space<semaphore_mem>>) src(%dma_wait3A_25 : memref<640x128xf32, #tpu.memory_space<vmem_shared>>) dst(%dma_wait3A_23 : memref<640x128xf32, #tpu.memory_space<hbm>>)
        tpu.yield
      }) : () -> ()
    } else {
    }
    return
  }
}

#map = affine_map<(d0, d1) -> (0, 0)>
#map1 = affine_map<(d0, d1) -> (0)>
module attributes {stable_mosaic.version = 14 : i64} {
  func.func @_segsum_kernel(%arg0: i32, %arg1: i32, %arg2: memref<10000x128xf32, #tpu.memory_space<hbm>>, %arg3: memref<10000x128xf32, #tpu.memory_space<hbm>>, %arg4: memref<327680xi32, #tpu.memory_space<hbm>>, %arg5: memref<327680xi32, #tpu.memory_space<hbm>>, %arg6: memref<640x128xf32, #tpu.memory_space<hbm>>, %arg7: memref<10240x128xf32, #tpu.memory_space<hbm>>, %arg8: memref<10240x128xf32, #tpu.memory_space<hbm>>, %arg9: memref<128xi32, #tpu.memory_space<vmem>>, %arg10: memref<128xi32, #tpu.memory_space<vmem>>, %arg11: memref<128x128xf32, #tpu.memory_space<vmem>>, %arg12: memref<10240x128xf32, #tpu.memory_space<vmem_shared>>, %arg13: memref<!tpu.dma_semaphore, #tpu.memory_space<semaphore_mem>>) attributes {dimension_semantics = [#tpu.dimension_semantics<core_parallel>, #tpu.dimension_semantics<subcore_parallel>], iteration_bounds = array<i64: 2, 16>, scalar_prefetch = 0 : i64, scratch_operands = 5 : i64, tpu.core_type = #tpu.core_type<sc_vector_subcore>, window_params = [{transform_indices = #map}, {transform_indices = #map}, {transform_indices = #map1}, {transform_indices = #map1}, {transform_indices = #map}, {transform_indices = #map}, {transform_indices = #map}]} {
    %mul3A = arith.constant 640 : i32
    %mul3A_0 = arith.muli %arg1, %mul3A : i32
    "tpu.region"() ({
      %run_scoped3A = tpu.sem_alloc : memref<!tpu.dma_semaphore, #tpu.memory_space<semaphore_mem>>
      %dma_start3A = arith.constant 0 : i32
      %dma_start3A_8 = tpu.memref_slice %arg12[%mul3A_0, %dma_start3A] : memref<10240x128xf32, #tpu.memory_space<vmem_shared>> -> memref<640x128xf32, #tpu.memory_space<vmem_shared>>
      tpu.enqueue_dma source(%arg6 : memref<640x128xf32, #tpu.memory_space<hbm>>) target(%dma_start3A_8 : memref<640x128xf32, #tpu.memory_space<vmem_shared>>) target_semaphore(%run_scoped3A : memref<!tpu.dma_semaphore, #tpu.memory_space<semaphore_mem>>)
      %dma_wait3A = arith.constant 0 : i32
      %dma_wait3A_9 = tpu.memref_slice %arg12[%mul3A_0, %dma_wait3A] : memref<10240x128xf32, #tpu.memory_space<vmem_shared>> -> memref<640x128xf32, #tpu.memory_space<vmem_shared>>
      tpu.wait_dma2 semaphore(%run_scoped3A : memref<!tpu.dma_semaphore, #tpu.memory_space<semaphore_mem>>) src(%arg6 : memref<640x128xf32, #tpu.memory_space<hbm>>) dst(%dma_wait3A_9 : memref<640x128xf32, #tpu.memory_space<vmem_shared>>)
      tpu.yield
    }) : () -> ()
    %barrier3A = arith.constant 0 : index
    tpu.barrier barrier_id(%barrier3A)
    %eq3A = arith.constant 0 : i32
    %eq3A_1 = arith.cmpi eq, %arg0, %eq3A : i32
    %convert_element_type3A = arith.extui %eq3A_1 : i1 to i32
    %cond3A = arith.constant 0 : i32
    %cond3A_2 = arith.cmpi ne, %convert_element_type3A, %cond3A : i32
    scf.if %cond3A_2 {
      %mul3A_8 = arith.constant 20480 : i32
      %mul3A_9 = arith.muli %arg1, %mul3A_8 : i32
      %scan3A = arith.constant 0 : i32
      %scan3A_10 = arith.constant 0 : i32
      %scan3A_11 = arith.constant 160 : i32
      %scan3A_12 = arith.addi %scan3A_10, %scan3A_11 : i32
      %scan3A_13 = arith.constant 1 : i32
      scf.for %scan3A_20 = %scan3A_10 to %scan3A_12 step %scan3A_13  : i32 {
        %mul3A_21 = arith.constant 128 : i32
        %mul3A_22 = arith.muli %scan3A_20, %mul3A_21 : i32
        %add3A = arith.addi %mul3A_9, %mul3A_22 : i32
        "tpu.region"() ({
          %run_scoped3A = tpu.sem_alloc : memref<!tpu.dma_semaphore, #tpu.memory_space<semaphore_mem>>
          %dma_start3A_27 = tpu.memref_slice %arg4[%add3A] : memref<327680xi32, #tpu.memory_space<hbm>> -> memref<128xi32, #tpu.memory_space<hbm>>
          %dma_start3A_28 = tpu.memref_slice %arg4[%add3A] : memref<327680xi32, #tpu.memory_space<hbm>> -> memref<128xi32, #tpu.memory_space<hbm>>
          tpu.enqueue_dma source(%dma_start3A_28 : memref<128xi32, #tpu.memory_space<hbm>>) target(%arg9 : memref<128xi32, #tpu.memory_space<vmem>>) target_semaphore(%run_scoped3A : memref<!tpu.dma_semaphore, #tpu.memory_space<semaphore_mem>>)
          %dma_wait3A_29 = tpu.memref_slice %arg4[%add3A] : memref<327680xi32, #tpu.memory_space<hbm>> -> memref<128xi32, #tpu.memory_space<hbm>>
          %dma_wait3A_30 = tpu.memref_slice %arg4[%add3A] : memref<327680xi32, #tpu.memory_space<hbm>> -> memref<128xi32, #tpu.memory_space<hbm>>
          tpu.wait_dma2 semaphore(%run_scoped3A : memref<!tpu.dma_semaphore, #tpu.memory_space<semaphore_mem>>) src(%dma_wait3A_30 : memref<128xi32, #tpu.memory_space<hbm>>) dst(%arg9 : memref<128xi32, #tpu.memory_space<vmem>>)
          tpu.yield
        }) : () -> ()
        "tpu.region"() ({
          %run_scoped3A = tpu.sem_alloc : memref<!tpu.dma_semaphore, #tpu.memory_space<semaphore_mem>>
          %dma_start3A_27 = tpu.memref_slice %arg5[%add3A] : memref<327680xi32, #tpu.memory_space<hbm>> -> memref<128xi32, #tpu.memory_space<hbm>>
          %dma_start3A_28 = tpu.memref_slice %arg5[%add3A] : memref<327680xi32, #tpu.memory_space<hbm>> -> memref<128xi32, #tpu.memory_space<hbm>>
          tpu.enqueue_dma source(%dma_start3A_28 : memref<128xi32, #tpu.memory_space<hbm>>) target(%arg10 : memref<128xi32, #tpu.memory_space<vmem>>) target_semaphore(%run_scoped3A : memref<!tpu.dma_semaphore, #tpu.memory_space<semaphore_mem>>)
          %dma_wait3A_29 = tpu.memref_slice %arg5[%add3A] : memref<327680xi32, #tpu.memory_space<hbm>> -> memref<128xi32, #tpu.memory_space<hbm>>
          %dma_wait3A_30 = tpu.memref_slice %arg5[%add3A] : memref<327680xi32, #tpu.memory_space<hbm>> -> memref<128xi32, #tpu.memory_space<hbm>>
          tpu.wait_dma2 semaphore(%run_scoped3A : memref<!tpu.dma_semaphore, #tpu.memory_space<semaphore_mem>>) src(%dma_wait3A_30 : memref<128xi32, #tpu.memory_space<hbm>>) dst(%arg10 : memref<128xi32, #tpu.memory_space<vmem>>)
          tpu.yield
        }) : () -> ()
        %dma_start3A = arith.constant 0 : i32
        %dma_start3A_23 = arith.constant 0 : i32
        %dma_start3A_24 = tpu.memref_slice %arg2[%dma_start3A, %dma_start3A_23] : memref<10000x128xf32, #tpu.memory_space<hbm>> -> memref<10000x128xf32, #tpu.memory_space<hbm>>
        tpu.enqueue_indirect_dma source(%dma_start3A_24 : memref<10000x128xf32, #tpu.memory_space<hbm>>) target(%arg11 : memref<128x128xf32, #tpu.memory_space<vmem>>) offsets(%arg9 : memref<128xi32, #tpu.memory_space<vmem>>) semaphore(%arg13 : memref<!tpu.dma_semaphore, #tpu.memory_space<semaphore_mem>>)
        %dma_wait3A = arith.constant 0 : i32
        %dma_wait3A_25 = arith.constant 0 : i32
        %dma_wait3A_26 = tpu.memref_slice %arg2[%dma_wait3A, %dma_wait3A_25] : memref<10000x128xf32, #tpu.memory_space<hbm>> -> memref<10000x128xf32, #tpu.memory_space<hbm>>
        tpu.wait_indirect_dma semaphore(%arg13 : memref<!tpu.dma_semaphore, #tpu.memory_space<semaphore_mem>>) src(%dma_wait3A_26 : memref<10000x128xf32, #tpu.memory_space<hbm>>) dst(%arg11 : memref<128x128xf32, #tpu.memory_space<vmem>>)
        "tpu.region"() ({
          %run_scoped3A = tpu.sem_alloc : memref<!tpu.dma_semaphore, #tpu.memory_space<semaphore_mem>>
          %dma_start3A_27 = arith.constant 0 : i32
          %dma_start3A_28 = arith.constant 0 : i32
          %dma_start3A_29 = tpu.memref_slice %arg12[%dma_start3A_27, %dma_start3A_28] : memref<10240x128xf32, #tpu.memory_space<vmem_shared>> -> memref<10240x128xf32, #tpu.memory_space<vmem_shared>>
          tpu.enqueue_indirect_dma source(%arg11 : memref<128x128xf32, #tpu.memory_space<vmem>>) target(%dma_start3A_29 : memref<10240x128xf32, #tpu.memory_space<vmem_shared>>) offsets(%arg10 : memref<128xi32, #tpu.memory_space<vmem>>) semaphore(%run_scoped3A : memref<!tpu.dma_semaphore, #tpu.memory_space<semaphore_mem>>) {add = true}
          %dma_wait3A_30 = arith.constant 0 : i32
          %dma_wait3A_31 = arith.constant 0 : i32
          %dma_wait3A_32 = tpu.memref_slice %arg12[%dma_wait3A_30, %dma_wait3A_31] : memref<10240x128xf32, #tpu.memory_space<vmem_shared>> -> memref<10240x128xf32, #tpu.memory_space<vmem_shared>>
          tpu.wait_indirect_dma semaphore(%run_scoped3A : memref<!tpu.dma_semaphore, #tpu.memory_space<semaphore_mem>>) src(%arg11 : memref<128x128xf32, #tpu.memory_space<vmem>>) dst(%dma_wait3A_32 : memref<10240x128xf32, #tpu.memory_space<vmem_shared>>)
          tpu.yield
        }) : () -> ()
      }
      %scan3A_14 = arith.constant 160 : i32
      %barrier3A_15 = arith.constant 0 : index
      tpu.barrier barrier_id(%barrier3A_15)
      %mul3A_16 = arith.constant 640 : i32
      %mul3A_17 = arith.muli %arg1, %mul3A_16 : i32
      %mul3A_18 = arith.constant 640 : i32
      %mul3A_19 = arith.muli %arg1, %mul3A_18 : i32
      "tpu.region"() ({
        %run_scoped3A = tpu.sem_alloc : memref<!tpu.dma_semaphore, #tpu.memory_space<semaphore_mem>>
        %dma_start3A = arith.constant 0 : i32
        %dma_start3A_20 = tpu.memref_slice %arg7[%mul3A_19, %dma_start3A] : memref<10240x128xf32, #tpu.memory_space<hbm>> -> memref<640x128xf32, #tpu.memory_space<hbm>>
        %dma_start3A_21 = arith.constant 0 : i32
        %dma_start3A_22 = tpu.memref_slice %arg12[%mul3A_17, %dma_start3A_21] : memref<10240x128xf32, #tpu.memory_space<vmem_shared>> -> memref<640x128xf32, #tpu.memory_space<vmem_shared>>
        tpu.enqueue_dma source(%dma_start3A_22 : memref<640x128xf32, #tpu.memory_space<vmem_shared>>) target(%dma_start3A_20 : memref<640x128xf32, #tpu.memory_space<hbm>>) target_semaphore(%run_scoped3A : memref<!tpu.dma_semaphore, #tpu.memory_space<semaphore_mem>>)
        %dma_wait3A = arith.constant 0 : i32
        %dma_wait3A_23 = tpu.memref_slice %arg7[%mul3A_19, %dma_wait3A] : memref<10240x128xf32, #tpu.memory_space<hbm>> -> memref<640x128xf32, #tpu.memory_space<hbm>>
        %dma_wait3A_24 = arith.constant 0 : i32
        %dma_wait3A_25 = tpu.memref_slice %arg12[%mul3A_17, %dma_wait3A_24] : memref<10240x128xf32, #tpu.memory_space<vmem_shared>> -> memref<640x128xf32, #tpu.memory_space<vmem_shared>>
        tpu.wait_dma2 semaphore(%run_scoped3A : memref<!tpu.dma_semaphore, #tpu.memory_space<semaphore_mem>>) src(%dma_wait3A_25 : memref<640x128xf32, #tpu.memory_space<vmem_shared>>) dst(%dma_wait3A_23 : memref<640x128xf32, #tpu.memory_space<hbm>>)
        tpu.yield
      }) : () -> ()
    } else {
    }
    %eq3A_3 = arith.constant 1 : i32
    %eq3A_4 = arith.cmpi eq, %arg0, %eq3A_3 : i32
    %convert_element_type3A_5 = arith.extui %eq3A_4 : i1 to i32
    %cond3A_6 = arith.constant 0 : i32
    %cond3A_7 = arith.cmpi ne, %convert_element_type3A_5, %cond3A_6 : i32
    scf.if %cond3A_7 {
      %mul3A_8 = arith.constant 20480 : i32
      %mul3A_9 = arith.muli %arg1, %mul3A_8 : i32
      %scan3A = arith.constant 0 : i32
      %scan3A_10 = arith.constant 0 : i32
      %scan3A_11 = arith.constant 160 : i32
      %scan3A_12 = arith.addi %scan3A_10, %scan3A_11 : i32
      %scan3A_13 = arith.constant 1 : i32
      scf.for %scan3A_20 = %scan3A_10 to %scan3A_12 step %scan3A_13  : i32 {
        %mul3A_21 = arith.constant 128 : i32
        %mul3A_22 = arith.muli %scan3A_20, %mul3A_21 : i32
        %add3A = arith.addi %mul3A_9, %mul3A_22 : i32
        "tpu.region"() ({
          %run_scoped3A = tpu.sem_alloc : memref<!tpu.dma_semaphore, #tpu.memory_space<semaphore_mem>>
          %dma_start3A_27 = tpu.memref_slice %arg4[%add3A] : memref<327680xi32, #tpu.memory_space<hbm>> -> memref<128xi32, #tpu.memory_space<hbm>>
          %dma_start3A_28 = tpu.memref_slice %arg4[%add3A] : memref<327680xi32, #tpu.memory_space<hbm>> -> memref<128xi32, #tpu.memory_space<hbm>>
          tpu.enqueue_dma source(%dma_start3A_28 : memref<128xi32, #tpu.memory_space<hbm>>) target(%arg9 : memref<128xi32, #tpu.memory_space<vmem>>) target_semaphore(%run_scoped3A : memref<!tpu.dma_semaphore, #tpu.memory_space<semaphore_mem>>)
          %dma_wait3A_29 = tpu.memref_slice %arg4[%add3A] : memref<327680xi32, #tpu.memory_space<hbm>> -> memref<128xi32, #tpu.memory_space<hbm>>
          %dma_wait3A_30 = tpu.memref_slice %arg4[%add3A] : memref<327680xi32, #tpu.memory_space<hbm>> -> memref<128xi32, #tpu.memory_space<hbm>>
          tpu.wait_dma2 semaphore(%run_scoped3A : memref<!tpu.dma_semaphore, #tpu.memory_space<semaphore_mem>>) src(%dma_wait3A_30 : memref<128xi32, #tpu.memory_space<hbm>>) dst(%arg9 : memref<128xi32, #tpu.memory_space<vmem>>)
          tpu.yield
        }) : () -> ()
        "tpu.region"() ({
          %run_scoped3A = tpu.sem_alloc : memref<!tpu.dma_semaphore, #tpu.memory_space<semaphore_mem>>
          %dma_start3A_27 = tpu.memref_slice %arg5[%add3A] : memref<327680xi32, #tpu.memory_space<hbm>> -> memref<128xi32, #tpu.memory_space<hbm>>
          %dma_start3A_28 = tpu.memref_slice %arg5[%add3A] : memref<327680xi32, #tpu.memory_space<hbm>> -> memref<128xi32, #tpu.memory_space<hbm>>
          tpu.enqueue_dma source(%dma_start3A_28 : memref<128xi32, #tpu.memory_space<hbm>>) target(%arg10 : memref<128xi32, #tpu.memory_space<vmem>>) target_semaphore(%run_scoped3A : memref<!tpu.dma_semaphore, #tpu.memory_space<semaphore_mem>>)
          %dma_wait3A_29 = tpu.memref_slice %arg5[%add3A] : memref<327680xi32, #tpu.memory_space<hbm>> -> memref<128xi32, #tpu.memory_space<hbm>>
          %dma_wait3A_30 = tpu.memref_slice %arg5[%add3A] : memref<327680xi32, #tpu.memory_space<hbm>> -> memref<128xi32, #tpu.memory_space<hbm>>
          tpu.wait_dma2 semaphore(%run_scoped3A : memref<!tpu.dma_semaphore, #tpu.memory_space<semaphore_mem>>) src(%dma_wait3A_30 : memref<128xi32, #tpu.memory_space<hbm>>) dst(%arg10 : memref<128xi32, #tpu.memory_space<vmem>>)
          tpu.yield
        }) : () -> ()
        %dma_start3A = arith.constant 0 : i32
        %dma_start3A_23 = arith.constant 0 : i32
        %dma_start3A_24 = tpu.memref_slice %arg3[%dma_start3A, %dma_start3A_23] : memref<10000x128xf32, #tpu.memory_space<hbm>> -> memref<10000x128xf32, #tpu.memory_space<hbm>>
        tpu.enqueue_indirect_dma source(%dma_start3A_24 : memref<10000x128xf32, #tpu.memory_space<hbm>>) target(%arg11 : memref<128x128xf32, #tpu.memory_space<vmem>>) offsets(%arg9 : memref<128xi32, #tpu.memory_space<vmem>>) semaphore(%arg13 : memref<!tpu.dma_semaphore, #tpu.memory_space<semaphore_mem>>)
        %dma_wait3A = arith.constant 0 : i32
        %dma_wait3A_25 = arith.constant 0 : i32
        %dma_wait3A_26 = tpu.memref_slice %arg3[%dma_wait3A, %dma_wait3A_25] : memref<10000x128xf32, #tpu.memory_space<hbm>> -> memref<10000x128xf32, #tpu.memory_space<hbm>>
        tpu.wait_indirect_dma semaphore(%arg13 : memref<!tpu.dma_semaphore, #tpu.memory_space<semaphore_mem>>) src(%dma_wait3A_26 : memref<10000x128xf32, #tpu.memory_space<hbm>>) dst(%arg11 : memref<128x128xf32, #tpu.memory_space<vmem>>)
        "tpu.region"() ({
          %run_scoped3A = tpu.sem_alloc : memref<!tpu.dma_semaphore, #tpu.memory_space<semaphore_mem>>
          %dma_start3A_27 = arith.constant 0 : i32
          %dma_start3A_28 = arith.constant 0 : i32
          %dma_start3A_29 = tpu.memref_slice %arg12[%dma_start3A_27, %dma_start3A_28] : memref<10240x128xf32, #tpu.memory_space<vmem_shared>> -> memref<10240x128xf32, #tpu.memory_space<vmem_shared>>
          tpu.enqueue_indirect_dma source(%arg11 : memref<128x128xf32, #tpu.memory_space<vmem>>) target(%dma_start3A_29 : memref<10240x128xf32, #tpu.memory_space<vmem_shared>>) offsets(%arg10 : memref<128xi32, #tpu.memory_space<vmem>>) semaphore(%run_scoped3A : memref<!tpu.dma_semaphore, #tpu.memory_space<semaphore_mem>>) {add = true}
          %dma_wait3A_30 = arith.constant 0 : i32
          %dma_wait3A_31 = arith.constant 0 : i32
          %dma_wait3A_32 = tpu.memref_slice %arg12[%dma_wait3A_30, %dma_wait3A_31] : memref<10240x128xf32, #tpu.memory_space<vmem_shared>> -> memref<10240x128xf32, #tpu.memory_space<vmem_shared>>
          tpu.wait_indirect_dma semaphore(%run_scoped3A : memref<!tpu.dma_semaphore, #tpu.memory_space<semaphore_mem>>) src(%arg11 : memref<128x128xf32, #tpu.memory_space<vmem>>) dst(%dma_wait3A_32 : memref<10240x128xf32, #tpu.memory_space<vmem_shared>>)
          tpu.yield
        }) : () -> ()
      }
      %scan3A_14 = arith.constant 160 : i32
      %barrier3A_15 = arith.constant 0 : index
      tpu.barrier barrier_id(%barrier3A_15)
      %mul3A_16 = arith.constant 640 : i32
      %mul3A_17 = arith.muli %arg1, %mul3A_16 : i32
      %mul3A_18 = arith.constant 640 : i32
      %mul3A_19 = arith.muli %arg1, %mul3A_18 : i32
      "tpu.region"() ({
        %run_scoped3A = tpu.sem_alloc : memref<!tpu.dma_semaphore, #tpu.memory_space<semaphore_mem>>
        %dma_start3A = arith.constant 0 : i32
        %dma_start3A_20 = tpu.memref_slice %arg8[%mul3A_19, %dma_start3A] : memref<10240x128xf32, #tpu.memory_space<hbm>> -> memref<640x128xf32, #tpu.memory_space<hbm>>
        %dma_start3A_21 = arith.constant 0 : i32
        %dma_start3A_22 = tpu.memref_slice %arg12[%mul3A_17, %dma_start3A_21] : memref<10240x128xf32, #tpu.memory_space<vmem_shared>> -> memref<640x128xf32, #tpu.memory_space<vmem_shared>>
        tpu.enqueue_dma source(%dma_start3A_22 : memref<640x128xf32, #tpu.memory_space<vmem_shared>>) target(%dma_start3A_20 : memref<640x128xf32, #tpu.memory_space<hbm>>) target_semaphore(%run_scoped3A : memref<!tpu.dma_semaphore, #tpu.memory_space<semaphore_mem>>)
        %dma_wait3A = arith.constant 0 : i32
        %dma_wait3A_23 = tpu.memref_slice %arg8[%mul3A_19, %dma_wait3A] : memref<10240x128xf32, #tpu.memory_space<hbm>> -> memref<640x128xf32, #tpu.memory_space<hbm>>
        %dma_wait3A_24 = arith.constant 0 : i32
        %dma_wait3A_25 = tpu.memref_slice %arg12[%mul3A_17, %dma_wait3A_24] : memref<10240x128xf32, #tpu.memory_space<vmem_shared>> -> memref<640x128xf32, #tpu.memory_space<vmem_shared>>
        tpu.wait_dma2 semaphore(%run_scoped3A : memref<!tpu.dma_semaphore, #tpu.memory_space<semaphore_mem>>) src(%dma_wait3A_25 : memref<640x128xf32, #tpu.memory_space<vmem_shared>>) dst(%dma_wait3A_23 : memref<640x128xf32, #tpu.memory_space<hbm>>)
        tpu.yield
      }) : () -> ()
    } else {
    }
    return
  }
}

module attributes {stable_mosaic.version = 14 : i64} {
  func.func @_lin1_body(%arg0: i32, %arg1: memref<1000x128xf32, #tpu.memory_space<vmem>>, %arg2: memref<128x128xf32, #tpu.memory_space<vmem>>, %arg3: memref<1x128xf32, #tpu.memory_space<vmem>>, %arg4: memref<1000x128xf32, #tpu.memory_space<vmem>>) attributes {dimension_semantics = [#tpu.dimension_semantics<arbitrary>], iteration_bounds = array<i64: 10>, scalar_prefetch = 0 : i64, scratch_operands = 0 : i64, tpu.core_type = #tpu.core_type<tc>, window_params = [{transform_indices = @transform_0, window_bounds = array<i64: 1000, 128>}, {pipeline_mode = #tpu.pipeline_mode<synchronous>, transform_indices = @transform_1, window_bounds = array<i64: 128, 128>}, {pipeline_mode = #tpu.pipeline_mode<synchronous>, transform_indices = @transform_2, window_bounds = array<i64: 1, 128>}, {transform_indices = @transform_3, window_bounds = array<i64: 1000, 128>}]} {
    %get3A = arith.constant 0 : index
    %get3A_0 = arith.constant 0 : index
    %get3A_1 = vector.load %arg1[%get3A, %get3A_0] : memref<1000x128xf32, #tpu.memory_space<vmem>>, vector<1000x128xf32>
    %get3A_2 = arith.constant 0 : index
    %get3A_3 = arith.constant 0 : index
    %get3A_4 = vector.load %arg2[%get3A_2, %get3A_3] : memref<128x128xf32, #tpu.memory_space<vmem>>, vector<128x128xf32>
    %dot_general3A = arith.constant dense<0.000000e+00> : vector<1000x128xf32>
    %dot_general3A_5 = tpu.matmul %get3A_1, %get3A_4, %dot_general3A {dimension_numbers = #tpu.dot_dimension_numbers<[1], [0], [0], [1], [0, 0, 1, 1], [], []>, transpose_lhs_hint = false} : vector<1000x128xf32>, vector<128x128xf32>, vector<1000x128xf32> -> vector<1000x128xf32>
    %get3A_6 = arith.constant 0 : index
    %get3A_7 = arith.constant 0 : index
    %get3A_8 = vector.load %arg3[%get3A_6, %get3A_7] : memref<1x128xf32, #tpu.memory_space<vmem>>, vector<1x128xf32>
    %add3A = vector.broadcast %get3A_8 : vector<1x128xf32> to vector<1000x128xf32>
    %add3A_9 = arith.addf %dot_general3A_5, %add3A : vector<1000x128xf32>
    %swap3A = arith.constant 0 : index
    %swap3A_10 = arith.constant 0 : index
    %swap3A_11 = vector.load %arg4[%swap3A, %swap3A_10] : memref<1000x128xf32, #tpu.memory_space<vmem>>, vector<1000x128xf32>
    tpu.vector_store %arg4[%swap3A, %swap3A_10], %add3A_9 {strides = array<i32>} : memref<1000x128xf32, #tpu.memory_space<vmem>>, vector<1000x128xf32>,
    return
  }
  func.func @transform_0(%arg0: i32) -> (i32, i32) {
    %c0_i32 = arith.constant 0 : i32
    %c0_i32_0 = arith.constant 0 : i32
    return %arg0, %c0_i32 : i32, i32
  }
  func.func @transform_1(%arg0: i32) -> (i32, i32) {
    %c0_i32 = arith.constant 0 : i32
    %c0_i32_0 = arith.constant 0 : i32
    %c0_i32_1 = arith.constant 0 : i32
    return %c0_i32, %c0_i32_0 : i32, i32
  }
  func.func @transform_2(%arg0: i32) -> (i32, i32) {
    %c0_i32 = arith.constant 0 : i32
    %c0_i32_0 = arith.constant 0 : i32
    %c0_i32_1 = arith.constant 0 : i32
    return %c0_i32, %c0_i32_0 : i32, i32
  }
  func.func @transform_3(%arg0: i32) -> (i32, i32) {
    %c0_i32 = arith.constant 0 : i32
    %c0_i32_0 = arith.constant 0 : i32
    return %arg0, %c0_i32 : i32, i32
  }
}

module attributes {stable_mosaic.version = 14 : i64} {
  func.func @_pre_body(%arg0: i32, %arg1: memref<1000x128xf32, #tpu.memory_space<vmem>>, %arg2: memref<128x128xf32, #tpu.memory_space<vmem>>, %arg3: memref<1000x2xf32, #tpu.memory_space<vmem>>, %arg4: memref<1000x128xf32, #tpu.memory_space<vmem>>) attributes {dimension_semantics = [#tpu.dimension_semantics<arbitrary>], iteration_bounds = array<i64: 10>, scalar_prefetch = 0 : i64, scratch_operands = 0 : i64, tpu.core_type = #tpu.core_type<tc>, window_params = [{transform_indices = @transform_0, window_bounds = array<i64: 1000, 128>}, {pipeline_mode = #tpu.pipeline_mode<synchronous>, transform_indices = @transform_1, window_bounds = array<i64: 128, 128>}, {transform_indices = @transform_2, window_bounds = array<i64: 1000, 2>}, {transform_indices = @transform_3, window_bounds = array<i64: 1000, 128>}]} {
    %get3A = arith.constant 0 : index
    %get3A_0 = arith.constant 1 : index
    %get3A_1 = vector.load %arg3[%get3A, %get3A_0] : memref<1000x2xf32, #tpu.memory_space<vmem>>, vector<1000x1xf32>
    %max3A = arith.constant 1.000000e+00 : f32
    %max3A_2 = vector.broadcast %max3A : f32 to vector<1000x1xf32>
    %max3A_3 = arith.maximumf %get3A_1, %max3A_2 : vector<1000x1xf32>
    %rsqrt3A = math.rsqrt %max3A_3 : vector<1000x1xf32>
    %get3A_4 = arith.constant 0 : index
    %get3A_5 = arith.constant 0 : index
    %get3A_6 = vector.load %arg1[%get3A_4, %get3A_5] : memref<1000x128xf32, #tpu.memory_space<vmem>>, vector<1000x128xf32>
    %get3A_7 = arith.constant 0 : index
    %get3A_8 = arith.constant 0 : index
    %get3A_9 = vector.load %arg2[%get3A_7, %get3A_8] : memref<128x128xf32, #tpu.memory_space<vmem>>, vector<128x128xf32>
    %dot_general3A = arith.constant dense<0.000000e+00> : vector<1000x128xf32>
    %dot_general3A_10 = tpu.matmul %get3A_6, %get3A_9, %dot_general3A {dimension_numbers = #tpu.dot_dimension_numbers<[1], [0], [0], [1], [0, 0, 1, 1], [], []>, transpose_lhs_hint = false} : vector<1000x128xf32>, vector<128x128xf32>, vector<1000x128xf32> -> vector<1000x128xf32>
    %mul3A = vector.broadcast %rsqrt3A : vector<1000x1xf32> to vector<1000x128xf32>
    %mul3A_11 = arith.mulf %dot_general3A_10, %mul3A : vector<1000x128xf32>
    %swap3A = arith.constant 0 : index
    %swap3A_12 = arith.constant 0 : index
    %swap3A_13 = vector.load %arg4[%swap3A, %swap3A_12] : memref<1000x128xf32, #tpu.memory_space<vmem>>, vector<1000x128xf32>
    tpu.vector_store %arg4[%swap3A, %swap3A_12], %mul3A_11 {strides = array<i32>} : memref<1000x128xf32, #tpu.memory_space<vmem>>, vector<1000x128xf32>,
    return
  }
  func.func @transform_0(%arg0: i32) -> (i32, i32) {
    %c0_i32 = arith.constant 0 : i32
    %c0_i32_0 = arith.constant 0 : i32
    return %arg0, %c0_i32 : i32, i32
  }
  func.func @transform_1(%arg0: i32) -> (i32, i32) {
    %c0_i32 = arith.constant 0 : i32
    %c0_i32_0 = arith.constant 0 : i32
    %c0_i32_1 = arith.constant 0 : i32
    return %c0_i32, %c0_i32_0 : i32, i32
  }
  func.func @transform_2(%arg0: i32) -> (i32, i32) {
    %c0_i32 = arith.constant 0 : i32
    %c0_i32_0 = arith.constant 0 : i32
    return %arg0, %c0_i32 : i32, i32
  }
  func.func @transform_3(%arg0: i32) -> (i32, i32) {
    %c0_i32 = arith.constant 0 : i32
    %c0_i32_0 = arith.constant 0 : i32
    return %arg0, %c0_i32 : i32, i32
  }
}

module attributes {stable_mosaic.version = 14 : i64} {
  func.func @_post_body(%arg0: i32, %arg1: memref<1000x128xf32, #tpu.memory_space<vmem>>, %arg2: memref<1000x128xf32, #tpu.memory_space<vmem>>, %arg3: memref<1000x128xf32, #tpu.memory_space<vmem>>, %arg4: memref<1000x2xf32, #tpu.memory_space<vmem>>, %arg5: memref<128x128xf32, #tpu.memory_space<vmem>>, %arg6: memref<128x128xf32, #tpu.memory_space<vmem>>, %arg7: memref<128x128xf32, #tpu.memory_space<vmem>>, %arg8: memref<128x128xf32, #tpu.memory_space<vmem>>, %arg9: memref<1x4xf32, #tpu.memory_space<vmem>>, %arg10: memref<1000x128xf32, #tpu.memory_space<vmem>>) attributes {dimension_semantics = [#tpu.dimension_semantics<arbitrary>], iteration_bounds = array<i64: 10>, scalar_prefetch = 0 : i64, scratch_operands = 0 : i64, tpu.core_type = #tpu.core_type<tc>, window_params = [{transform_indices = @transform_0, window_bounds = array<i64: 1000, 128>}, {transform_indices = @transform_1, window_bounds = array<i64: 1000, 128>}, {transform_indices = @transform_2, window_bounds = array<i64: 1000, 128>}, {transform_indices = @transform_3, window_bounds = array<i64: 1000, 2>}, {pipeline_mode = #tpu.pipeline_mode<synchronous>, transform_indices = @transform_4, window_bounds = array<i64: 128, 128>}, {pipeline_mode = #tpu.pipeline_mode<synchronous>, transform_indices = @transform_5, window_bounds = array<i64: 128, 128>}, {pipeline_mode = #tpu.pipeline_mode<synchronous>, transform_indices = @transform_6, window_bounds = array<i64: 128, 128>}, {pipeline_mode = #tpu.pipeline_mode<synchronous>, transform_indices = @transform_7, window_bounds = array<i64: 128, 128>}, {pipeline_mode = #tpu.pipeline_mode<synchronous>, transform_indices = @transform_8, window_bounds = array<i64: 1, 4>}, {transform_indices = @transform_9, window_bounds = array<i64: 1000, 128>}]} {
    %get3A = arith.constant 0 : index
    %get3A_0 = arith.constant 0 : index
    %get3A_1 = vector.load %arg4[%get3A, %get3A_0] : memref<1000x2xf32, #tpu.memory_space<vmem>>, vector<1000x1xf32>
    %max3A = arith.constant 1.000000e+00 : f32
    %max3A_2 = vector.broadcast %max3A : f32 to vector<1000x1xf32>
    %max3A_3 = arith.maximumf %get3A_1, %max3A_2 : vector<1000x1xf32>
    %get3A_4 = arith.constant 0 : index
    %get3A_5 = arith.constant 0 : index
    %get3A_6 = vector.load %arg1[%get3A_4, %get3A_5] : memref<1000x128xf32, #tpu.memory_space<vmem>>, vector<1000x128xf32>
    %get3A_7 = arith.constant 0 : index
    %get3A_8 = arith.constant 0 : index
    %get3A_9 = vector.load %arg2[%get3A_7, %get3A_8] : memref<1000x128xf32, #tpu.memory_space<vmem>>, vector<1000x128xf32>
    %get3A_10 = arith.constant 0 : index
    %get3A_11 = arith.constant 0 : index
    %get3A_12 = vector.load %arg3[%get3A_10, %get3A_11] : memref<1000x128xf32, #tpu.memory_space<vmem>>, vector<1000x128xf32>
    %rsqrt3A = math.rsqrt %max3A_3 : vector<1000x1xf32>
    %mul3A = vector.broadcast %rsqrt3A : vector<1000x1xf32> to vector<1000x128xf32>
    %mul3A_13 = arith.mulf %get3A_12, %mul3A : vector<1000x128xf32>
    %get3A_14 = arith.constant 0 : index
    %get3A_15 = arith.constant 0 : index
    %get3A_16 = vector.load %arg5[%get3A_14, %get3A_15] : memref<128x128xf32, #tpu.memory_space<vmem>>, vector<128x128xf32>
    %dot_general3A = arith.constant dense<0.000000e+00> : vector<1000x128xf32>
    %dot_general3A_17 = tpu.matmul %get3A_6, %get3A_16, %dot_general3A {dimension_numbers = #tpu.dot_dimension_numbers<[1], [0], [0], [1], [0, 0, 1, 1], [], []>, transpose_lhs_hint = false} : vector<1000x128xf32>, vector<128x128xf32>, vector<1000x128xf32> -> vector<1000x128xf32>
    %div3A = vector.broadcast %max3A_3 : vector<1000x1xf32> to vector<1000x128xf32>
    %div3A_18 = arith.divf %get3A_9, %div3A : vector<1000x128xf32>
    %get3A_19 = arith.constant 0 : index
    %get3A_20 = arith.constant 0 : index
    %get3A_21 = vector.load %arg6[%get3A_19, %get3A_20] : memref<128x128xf32, #tpu.memory_space<vmem>>, vector<128x128xf32>
    %dot_general3A_22 = arith.constant dense<0.000000e+00> : vector<1000x128xf32>
    %dot_general3A_23 = tpu.matmul %div3A_18, %get3A_21, %dot_general3A_22 {dimension_numbers = #tpu.dot_dimension_numbers<[1], [0], [0], [1], [0, 0, 1, 1], [], []>, transpose_lhs_hint = false} : vector<1000x128xf32>, vector<128x128xf32>, vector<1000x128xf32> -> vector<1000x128xf32>
    %add3A = arith.addf %dot_general3A_17, %dot_general3A_23 : vector<1000x128xf32>
    %add3A_24 = arith.addf %get3A_6, %get3A_9 : vector<1000x128xf32>
    %get3A_25 = arith.constant 0 : index
    %get3A_26 = arith.constant 0 : index
    %get3A_27 = vector.load %arg7[%get3A_25, %get3A_26] : memref<128x128xf32, #tpu.memory_space<vmem>>, vector<128x128xf32>
    %dot_general3A_28 = arith.constant dense<0.000000e+00> : vector<1000x128xf32>
    %dot_general3A_29 = tpu.matmul %add3A_24, %get3A_27, %dot_general3A_28 {dimension_numbers = #tpu.dot_dimension_numbers<[1], [0], [0], [1], [0, 0, 1, 1], [], []>, transpose_lhs_hint = false} : vector<1000x128xf32>, vector<128x128xf32>, vector<1000x128xf32> -> vector<1000x128xf32>
    %get3A_30 = arith.constant 0 : index
    %get3A_31 = arith.constant 0 : index
    %get3A_32 = vector.load %arg8[%get3A_30, %get3A_31] : memref<128x128xf32, #tpu.memory_space<vmem>>, vector<128x128xf32>
    %dot_general3A_33 = arith.constant dense<0.000000e+00> : vector<1000x128xf32>
    %dot_general3A_34 = tpu.matmul %get3A_6, %get3A_32, %dot_general3A_33 {dimension_numbers = #tpu.dot_dimension_numbers<[1], [0], [0], [1], [0, 0, 1, 1], [], []>, transpose_lhs_hint = false} : vector<1000x128xf32>, vector<128x128xf32>, vector<1000x128xf32> -> vector<1000x128xf32>
    %get3A_35 = arith.constant 0 : index
    %get3A_36 = arith.constant 0 : index
    %get3A_37 = vector.load %arg9[%get3A_35, %get3A_36] : memref<1x4xf32, #tpu.memory_space<vmem>>, vector<1x1xf32>
    %get3A_38 = vector.extract %get3A_37[0, 0] : f32 from vector<1x1xf32>
    %gt3A = arith.constant 0.000000e+00 : f32
    %gt3A_39 = vector.broadcast %gt3A : f32 to vector<1000x128xf32>
    %gt3A_40 = arith.cmpf ogt, %mul3A_13, %gt3A_39 : vector<1000x128xf32>
    %exp3A = math.exp %mul3A_13 : vector<1000x128xf32>
    %sub3A = arith.constant 1.000000e+00 : f32
    %sub3A_41 = vector.broadcast %sub3A : f32 to vector<1000x128xf32>
    %sub3A_42 = arith.subf %exp3A, %sub3A_41 : vector<1000x128xf32>
    %select_n3A = arith.select %gt3A_40, %mul3A_13, %sub3A_42 : vector<1000x128xi1>, vector<1000x128xf32>
    %mul3A_43 = vector.broadcast %get3A_38 : f32 to vector<1000x128xf32>
    %mul3A_44 = arith.mulf %mul3A_43, %select_n3A : vector<1000x128xf32>
    %get3A_45 = arith.constant 0 : index
    %get3A_46 = arith.constant 1 : index
    %get3A_47 = vector.load %arg9[%get3A_45, %get3A_46] : memref<1x4xf32, #tpu.memory_space<vmem>>, vector<1x1xf32>
    %get3A_48 = vector.extract %get3A_47[0, 0] : f32 from vector<1x1xf32>
    %gt3A_49 = arith.constant 0.000000e+00 : f32
    %gt3A_50 = vector.broadcast %gt3A_49 : f32 to vector<1000x128xf32>
    %gt3A_51 = arith.cmpf ogt, %add3A, %gt3A_50 : vector<1000x128xf32>
    %exp3A_52 = math.exp %add3A : vector<1000x128xf32>
    %sub3A_53 = arith.constant 1.000000e+00 : f32
    %sub3A_54 = vector.broadcast %sub3A_53 : f32 to vector<1000x128xf32>
    %sub3A_55 = arith.subf %exp3A_52, %sub3A_54 : vector<1000x128xf32>
    %select_n3A_56 = arith.select %gt3A_51, %add3A, %sub3A_55 : vector<1000x128xi1>, vector<1000x128xf32>
    %mul3A_57 = vector.broadcast %get3A_48 : f32 to vector<1000x128xf32>
    %mul3A_58 = arith.mulf %mul3A_57, %select_n3A_56 : vector<1000x128xf32>
    %add3A_59 = arith.addf %mul3A_44, %mul3A_58 : vector<1000x128xf32>
    %get3A_60 = arith.constant 0 : index
    %get3A_61 = arith.constant 2 : index
    %get3A_62 = vector.load %arg9[%get3A_60, %get3A_61] : memref<1x4xf32, #tpu.memory_space<vmem>>, vector<1x1xf32>
    %get3A_63 = vector.extract %get3A_62[0, 0] : f32 from vector<1x1xf32>
    %gt3A_64 = arith.constant 0.000000e+00 : f32
    %gt3A_65 = vector.broadcast %gt3A_64 : f32 to vector<1000x128xf32>
    %gt3A_66 = arith.cmpf ogt, %dot_general3A_29, %gt3A_65 : vector<1000x128xf32>
    %exp3A_67 = math.exp %dot_general3A_29 : vector<1000x128xf32>
    %sub3A_68 = arith.constant 1.000000e+00 : f32
    %sub3A_69 = vector.broadcast %sub3A_68 : f32 to vector<1000x128xf32>
    %sub3A_70 = arith.subf %exp3A_67, %sub3A_69 : vector<1000x128xf32>
    %select_n3A_71 = arith.select %gt3A_66, %dot_general3A_29, %sub3A_70 : vector<1000x128xi1>, vector<1000x128xf32>
    %mul3A_72 = vector.broadcast %get3A_63 : f32 to vector<1000x128xf32>
    %mul3A_73 = arith.mulf %mul3A_72, %select_n3A_71 : vector<1000x128xf32>
    %add3A_74 = arith.addf %add3A_59, %mul3A_73 : vector<1000x128xf32>
    %get3A_75 = arith.constant 0 : index
    %get3A_76 = arith.constant 3 : index
    %get3A_77 = vector.load %arg9[%get3A_75, %get3A_76] : memref<1x4xf32, #tpu.memory_space<vmem>>, vector<1x1xf32>
    %get3A_78 = vector.extract %get3A_77[0, 0] : f32 from vector<1x1xf32>
    %gt3A_79 = arith.constant 0.000000e+00 : f32
    %gt3A_80 = vector.broadcast %gt3A_79 : f32 to vector<1000x128xf32>
    %gt3A_81 = arith.cmpf ogt, %dot_general3A_34, %gt3A_80 : vector<1000x128xf32>
    %exp3A_82 = math.exp %dot_general3A_34 : vector<1000x128xf32>
    %sub3A_83 = arith.constant 1.000000e+00 : f32
    %sub3A_84 = vector.broadcast %sub3A_83 : f32 to vector<1000x128xf32>
    %sub3A_85 = arith.subf %exp3A_82, %sub3A_84 : vector<1000x128xf32>
    %select_n3A_86 = arith.select %gt3A_81, %dot_general3A_34, %sub3A_85 : vector<1000x128xi1>, vector<1000x128xf32>
    %mul3A_87 = vector.broadcast %get3A_78 : f32 to vector<1000x128xf32>
    %mul3A_88 = arith.mulf %mul3A_87, %select_n3A_86 : vector<1000x128xf32>
    %add3A_89 = arith.addf %add3A_74, %mul3A_88 : vector<1000x128xf32>
    %swap3A = arith.constant 0 : index
    %swap3A_90 = arith.constant 0 : index
    %swap3A_91 = vector.load %arg10[%swap3A, %swap3A_90] : memref<1000x128xf32, #tpu.memory_space<vmem>>, vector<1000x128xf32>
    tpu.vector_store %arg10[%swap3A, %swap3A_90], %add3A_89 {strides = array<i32>} : memref<1000x128xf32, #tpu.memory_space<vmem>>, vector<1000x128xf32>,
    return
  }
  func.func @transform_0(%arg0: i32) -> (i32, i32) {
    %c0_i32 = arith.constant 0 : i32
    %c0_i32_0 = arith.constant 0 : i32
    return %arg0, %c0_i32 : i32, i32
  }
  func.func @transform_1(%arg0: i32) -> (i32, i32) {
    %c0_i32 = arith.constant 0 : i32
    %c0_i32_0 = arith.constant 0 : i32
    return %arg0, %c0_i32 : i32, i32
  }
  func.func @transform_2(%arg0: i32) -> (i32, i32) {
    %c0_i32 = arith.constant 0 : i32
    %c0_i32_0 = arith.constant 0 : i32
    return %arg0, %c0_i32 : i32, i32
  }
  func.func @transform_3(%arg0: i32) -> (i32, i32) {
    %c0_i32 = arith.constant 0 : i32
    %c0_i32_0 = arith.constant 0 : i32
    return %arg0, %c0_i32 : i32, i32
  }
  func.func @transform_4(%arg0: i32) -> (i32, i32) {
    %c0_i32 = arith.constant 0 : i32
    %c0_i32_0 = arith.constant 0 : i32
    %c0_i32_1 = arith.constant 0 : i32
    return %c0_i32, %c0_i32_0 : i32, i32
  }
  func.func @transform_5(%arg0: i32) -> (i32, i32) {
    %c0_i32 = arith.constant 0 : i32
    %c0_i32_0 = arith.constant 0 : i32
    %c0_i32_1 = arith.constant 0 : i32
    return %c0_i32, %c0_i32_0 : i32, i32
  }
  func.func @transform_6(%arg0: i32) -> (i32, i32) {
    %c0_i32 = arith.constant 0 : i32
    %c0_i32_0 = arith.constant 0 : i32
    %c0_i32_1 = arith.constant 0 : i32
    return %c0_i32, %c0_i32_0 : i32, i32
  }
  func.func @transform_7(%arg0: i32) -> (i32, i32) {
    %c0_i32 = arith.constant 0 : i32
    %c0_i32_0 = arith.constant 0 : i32
    %c0_i32_1 = arith.constant 0 : i32
    return %c0_i32, %c0_i32_0 : i32, i32
  }
  func.func @transform_8(%arg0: i32) -> (i32, i32) {
    %c0_i32 = arith.constant 0 : i32
    %c0_i32_0 = arith.constant 0 : i32
    %c0_i32_1 = arith.constant 0 : i32
    return %c0_i32, %c0_i32_0 : i32, i32
  }
  func.func @transform_9(%arg0: i32) -> (i32, i32) {
    %c0_i32 = arith.constant 0 : i32
    %c0_i32_0 = arith.constant 0 : i32
    return %arg0, %c0_i32 : i32, i32
  }
}

module attributes {stable_mosaic.version = 14 : i64} {
  func.func @_final_body(%arg0: i32, %arg1: memref<1000x128xf32, #tpu.memory_space<vmem>>, %arg2: memref<1000x128xf32, #tpu.memory_space<vmem>>, %arg3: memref<1000x128xf32, #tpu.memory_space<vmem>>, %arg4: memref<384x128xf32, #tpu.memory_space<vmem>>, %arg5: memref<128x10xf32, #tpu.memory_space<vmem>>, %arg6: memref<1x10xf32, #tpu.memory_space<vmem>>, %arg7: memref<1x5xf32, #tpu.memory_space<vmem>>, %arg8: memref<1000x10xf32, #tpu.memory_space<vmem>>) attributes {dimension_semantics = [#tpu.dimension_semantics<arbitrary>], iteration_bounds = array<i64: 10>, scalar_prefetch = 0 : i64, scratch_operands = 0 : i64, tpu.core_type = #tpu.core_type<tc>, window_params = [{transform_indices = @transform_0, window_bounds = array<i64: 1000, 128>}, {transform_indices = @transform_1, window_bounds = array<i64: 1000, 128>}, {transform_indices = @transform_2, window_bounds = array<i64: 1000, 128>}, {pipeline_mode = #tpu.pipeline_mode<synchronous>, transform_indices = @transform_3, window_bounds = array<i64: 384, 128>}, {pipeline_mode = #tpu.pipeline_mode<synchronous>, transform_indices = @transform_4, window_bounds = array<i64: 128, 10>}, {pipeline_mode = #tpu.pipeline_mode<synchronous>, transform_indices = @transform_5, window_bounds = array<i64: 1, 10>}, {pipeline_mode = #tpu.pipeline_mode<synchronous>, transform_indices = @transform_6, window_bounds = array<i64: 1, 5>}, {transform_indices = @transform_7, window_bounds = array<i64: 1000, 10>}]} {
    %get3A = arith.constant 0 : index
    %get3A_0 = arith.constant 0 : index
    %get3A_1 = vector.load %arg7[%get3A, %get3A_0] : memref<1x5xf32, #tpu.memory_space<vmem>>, vector<1x1xf32>
    %get3A_2 = vector.extract %get3A_1[0, 0] : f32 from vector<1x1xf32>
    %get3A_3 = arith.constant 0 : index
    %get3A_4 = arith.constant 0 : index
    %get3A_5 = vector.load %arg1[%get3A_3, %get3A_4] : memref<1000x128xf32, #tpu.memory_space<vmem>>, vector<1000x128xf32>
    %mul3A = vector.broadcast %get3A_2 : f32 to vector<1000x128xf32>
    %mul3A_6 = arith.mulf %mul3A, %get3A_5 : vector<1000x128xf32>
    %get3A_7 = arith.constant 0 : index
    %get3A_8 = arith.constant 1 : index
    %get3A_9 = vector.load %arg7[%get3A_7, %get3A_8] : memref<1x5xf32, #tpu.memory_space<vmem>>, vector<1x1xf32>
    %get3A_10 = vector.extract %get3A_9[0, 0] : f32 from vector<1x1xf32>
    %get3A_11 = arith.constant 0 : index
    %get3A_12 = arith.constant 0 : index
    %get3A_13 = vector.load %arg2[%get3A_11, %get3A_12] : memref<1000x128xf32, #tpu.memory_space<vmem>>, vector<1000x128xf32>
    %mul3A_14 = vector.broadcast %get3A_10 : f32 to vector<1000x128xf32>
    %mul3A_15 = arith.mulf %mul3A_14, %get3A_13 : vector<1000x128xf32>
    %get3A_16 = arith.constant 0 : index
    %get3A_17 = arith.constant 0 : index
    %get3A_18 = vector.load %arg3[%get3A_16, %get3A_17] : memref<1000x128xf32, #tpu.memory_space<vmem>>, vector<1000x128xf32>
    %add3A = arith.addf %mul3A_6, %mul3A_15 : vector<1000x128xf32>
    %add3A_19 = arith.addf %add3A, %get3A_18 : vector<1000x128xf32>
    %max3A = arith.maximumf %mul3A_6, %mul3A_15 : vector<1000x128xf32>
    %max3A_20 = arith.maximumf %max3A, %get3A_18 : vector<1000x128xf32>
    %get3A_21 = arith.constant 0 : index
    %get3A_22 = arith.constant 0 : index
    %get3A_23 = vector.load %arg4[%get3A_21, %get3A_22] : memref<384x128xf32, #tpu.memory_space<vmem>>, vector<128x128xf32>
    %dot_general3A = arith.constant dense<0.000000e+00> : vector<1000x128xf32>
    %dot_general3A_24 = tpu.matmul %mul3A_6, %get3A_23, %dot_general3A {dimension_numbers = #tpu.dot_dimension_numbers<[1], [0], [0], [1], [0, 0, 1, 1], [], []>, transpose_lhs_hint = false} : vector<1000x128xf32>, vector<128x128xf32>, vector<1000x128xf32> -> vector<1000x128xf32>
    %get3A_25 = arith.constant 128 : index
    %get3A_26 = arith.constant 0 : index
    %get3A_27 = vector.load %arg4[%get3A_25, %get3A_26] : memref<384x128xf32, #tpu.memory_space<vmem>>, vector<128x128xf32>
    %dot_general3A_28 = arith.constant dense<0.000000e+00> : vector<1000x128xf32>
    %dot_general3A_29 = tpu.matmul %mul3A_15, %get3A_27, %dot_general3A_28 {dimension_numbers = #tpu.dot_dimension_numbers<[1], [0], [0], [1], [0, 0, 1, 1], [], []>, transpose_lhs_hint = false} : vector<1000x128xf32>, vector<128x128xf32>, vector<1000x128xf32> -> vector<1000x128xf32>
    %add3A_30 = arith.addf %dot_general3A_24, %dot_general3A_29 : vector<1000x128xf32>
    %get3A_31 = arith.constant 256 : index
    %get3A_32 = arith.constant 0 : index
    %get3A_33 = vector.load %arg4[%get3A_31, %get3A_32] : memref<384x128xf32, #tpu.memory_space<vmem>>, vector<128x128xf32>
    %dot_general3A_34 = arith.constant dense<0.000000e+00> : vector<1000x128xf32>
    %dot_general3A_35 = tpu.matmul %get3A_18, %get3A_33, %dot_general3A_34 {dimension_numbers = #tpu.dot_dimension_numbers<[1], [0], [0], [1], [0, 0, 1, 1], [], []>, transpose_lhs_hint = false} : vector<1000x128xf32>, vector<128x128xf32>, vector<1000x128xf32> -> vector<1000x128xf32>
    %add3A_36 = arith.addf %add3A_30, %dot_general3A_35 : vector<1000x128xf32>
    %get3A_37 = arith.constant 0 : index
    %get3A_38 = arith.constant 2 : index
    %get3A_39 = vector.load %arg7[%get3A_37, %get3A_38] : memref<1x5xf32, #tpu.memory_space<vmem>>, vector<1x1xf32>
    %get3A_40 = vector.extract %get3A_39[0, 0] : f32 from vector<1x1xf32>
    %gt3A = arith.constant 0.000000e+00 : f32
    %gt3A_41 = vector.broadcast %gt3A : f32 to vector<1000x128xf32>
    %gt3A_42 = arith.cmpf ogt, %add3A_19, %gt3A_41 : vector<1000x128xf32>
    %exp3A = math.exp %add3A_19 : vector<1000x128xf32>
    %sub3A = arith.constant 1.000000e+00 : f32
    %sub3A_43 = vector.broadcast %sub3A : f32 to vector<1000x128xf32>
    %sub3A_44 = arith.subf %exp3A, %sub3A_43 : vector<1000x128xf32>
    %select_n3A = arith.select %gt3A_42, %add3A_19, %sub3A_44 : vector<1000x128xi1>, vector<1000x128xf32>
    %mul3A_45 = vector.broadcast %get3A_40 : f32 to vector<1000x128xf32>
    %mul3A_46 = arith.mulf %mul3A_45, %select_n3A : vector<1000x128xf32>
    %get3A_47 = arith.constant 0 : index
    %get3A_48 = arith.constant 3 : index
    %get3A_49 = vector.load %arg7[%get3A_47, %get3A_48] : memref<1x5xf32, #tpu.memory_space<vmem>>, vector<1x1xf32>
    %get3A_50 = vector.extract %get3A_49[0, 0] : f32 from vector<1x1xf32>
    %gt3A_51 = arith.constant 0.000000e+00 : f32
    %gt3A_52 = vector.broadcast %gt3A_51 : f32 to vector<1000x128xf32>
    %gt3A_53 = arith.cmpf ogt, %max3A_20, %gt3A_52 : vector<1000x128xf32>
    %exp3A_54 = math.exp %max3A_20 : vector<1000x128xf32>
    %sub3A_55 = arith.constant 1.000000e+00 : f32
    %sub3A_56 = vector.broadcast %sub3A_55 : f32 to vector<1000x128xf32>
    %sub3A_57 = arith.subf %exp3A_54, %sub3A_56 : vector<1000x128xf32>
    %select_n3A_58 = arith.select %gt3A_53, %max3A_20, %sub3A_57 : vector<1000x128xi1>, vector<1000x128xf32>
    %mul3A_59 = vector.broadcast %get3A_50 : f32 to vector<1000x128xf32>
    %mul3A_60 = arith.mulf %mul3A_59, %select_n3A_58 : vector<1000x128xf32>
    %add3A_61 = arith.addf %mul3A_46, %mul3A_60 : vector<1000x128xf32>
    %get3A_62 = arith.constant 0 : index
    %get3A_63 = arith.constant 4 : index
    %get3A_64 = vector.load %arg7[%get3A_62, %get3A_63] : memref<1x5xf32, #tpu.memory_space<vmem>>, vector<1x1xf32>
    %get3A_65 = vector.extract %get3A_64[0, 0] : f32 from vector<1x1xf32>
    %gt3A_66 = arith.constant 0.000000e+00 : f32
    %gt3A_67 = vector.broadcast %gt3A_66 : f32 to vector<1000x128xf32>
    %gt3A_68 = arith.cmpf ogt, %add3A_36, %gt3A_67 : vector<1000x128xf32>
    %exp3A_69 = math.exp %add3A_36 : vector<1000x128xf32>
    %sub3A_70 = arith.constant 1.000000e+00 : f32
    %sub3A_71 = vector.broadcast %sub3A_70 : f32 to vector<1000x128xf32>
    %sub3A_72 = arith.subf %exp3A_69, %sub3A_71 : vector<1000x128xf32>
    %select_n3A_73 = arith.select %gt3A_68, %add3A_36, %sub3A_72 : vector<1000x128xi1>, vector<1000x128xf32>
    %mul3A_74 = vector.broadcast %get3A_65 : f32 to vector<1000x128xf32>
    %mul3A_75 = arith.mulf %mul3A_74, %select_n3A_73 : vector<1000x128xf32>
    %add3A_76 = arith.addf %add3A_61, %mul3A_75 : vector<1000x128xf32>
    %get3A_77 = arith.constant 0 : index
    %get3A_78 = arith.constant 0 : index
    %get3A_79 = vector.load %arg5[%get3A_77, %get3A_78] : memref<128x10xf32, #tpu.memory_space<vmem>>, vector<128x10xf32>
    %dot_general3A_80 = arith.constant dense<0.000000e+00> : vector<1000x10xf32>
    %dot_general3A_81 = tpu.matmul %add3A_76, %get3A_79, %dot_general3A_80 {dimension_numbers = #tpu.dot_dimension_numbers<[1], [0], [0], [1], [0, 0, 1, 1], [], []>, transpose_lhs_hint = false} : vector<1000x128xf32>, vector<128x10xf32>, vector<1000x10xf32> -> vector<1000x10xf32>
    %get3A_82 = arith.constant 0 : index
    %get3A_83 = arith.constant 0 : index
    %get3A_84 = vector.load %arg6[%get3A_82, %get3A_83] : memref<1x10xf32, #tpu.memory_space<vmem>>, vector<1x10xf32>
    %add3A_85 = vector.broadcast %get3A_84 : vector<1x10xf32> to vector<1000x10xf32>
    %add3A_86 = arith.addf %dot_general3A_81, %add3A_85 : vector<1000x10xf32>
    %swap3A = arith.constant 0 : index
    %swap3A_87 = arith.constant 0 : index
    %swap3A_88 = vector.load %arg8[%swap3A, %swap3A_87] : memref<1000x10xf32, #tpu.memory_space<vmem>>, vector<1000x10xf32>
    tpu.vector_store %arg8[%swap3A, %swap3A_87], %add3A_86 {strides = array<i32>} : memref<1000x10xf32, #tpu.memory_space<vmem>>, vector<1000x10xf32>,
    return
  }
  func.func @transform_0(%arg0: i32) -> (i32, i32) {
    %c0_i32 = arith.constant 0 : i32
    %c0_i32_0 = arith.constant 0 : i32
    return %arg0, %c0_i32 : i32, i32
  }
  func.func @transform_1(%arg0: i32) -> (i32, i32) {
    %c0_i32 = arith.constant 0 : i32
    %c0_i32_0 = arith.constant 0 : i32
    return %arg0, %c0_i32 : i32, i32
  }
  func.func @transform_2(%arg0: i32) -> (i32, i32) {
    %c0_i32 = arith.constant 0 : i32
    %c0_i32_0 = arith.constant 0 : i32
    return %arg0, %c0_i32 : i32, i32
  }
  func.func @transform_3(%arg0: i32) -> (i32, i32) {
    %c0_i32 = arith.constant 0 : i32
    %c0_i32_0 = arith.constant 0 : i32
    %c0_i32_1 = arith.constant 0 : i32
    return %c0_i32, %c0_i32_0 : i32, i32
  }
  func.func @transform_4(%arg0: i32) -> (i32, i32) {
    %c0_i32 = arith.constant 0 : i32
    %c0_i32_0 = arith.constant 0 : i32
    %c0_i32_1 = arith.constant 0 : i32
    return %c0_i32, %c0_i32_0 : i32, i32
  }
  func.func @transform_5(%arg0: i32) -> (i32, i32) {
    %c0_i32 = arith.constant 0 : i32
    %c0_i32_0 = arith.constant 0 : i32
    %c0_i32_1 = arith.constant 0 : i32
    return %c0_i32, %c0_i32_0 : i32, i32
  }
  func.func @transform_6(%arg0: i32) -> (i32, i32) {
    %c0_i32 = arith.constant 0 : i32
    %c0_i32_0 = arith.constant 0 : i32
    %c0_i32_1 = arith.constant 0 : i32
    return %c0_i32, %c0_i32_0 : i32, i32
  }
  func.func @transform_7(%arg0: i32) -> (i32, i32) {
    %c0_i32 = arith.constant 0 : i32
    %c0_i32_0 = arith.constant 0 : i32
    return %arg0, %c0_i32 : i32, i32
  }
}

</mosaic_0001>

<sc_bundles>
// kernel: kernel.14.cloned.1.call-start
scs
__scs_entry_jumppad:
0x0: {  	(pc) =	sbr.rel $0x88, $3  }
0x1: {  	(tag) =	ssettag $0x0;
	lr =	simm.s32 $0x1  }
0x2: {  	[smem:$0x3F92] =	sst lr;
	_ =	strace $0xD0000000  }
0x3: {  	_ = 	snop  }
0x4: {  	_ = 	snop  }
0x5: {  	_ = 	snop  }
0x6: {  	_ = 	snop  }
0x7: {  	_ = 	snop  }
__scs_overlays_trampoline_lowered:
0x8: {  	[smem:$0x3FA1] =	sst s0  }
0x9: {  	[smem:$0x3FA2] =	sst s1  }
0xa: {  	[smem:$0x3FA3] =	sst s2  }
0xb: {  	[smem:$0x3FA4] =	sst s3  }
0xc: {  	[smem:$0x3FA5] =	sst s4  }
0xd: {  	[smem:$0x3FA6] =	sst s5  }
0xe: {  	[smem:$0x3FA7] =	sst s6  }
0xf: {  	[smem:$0x3FA8] =	sst s7  }
0x10: {  	[smem:$0x3FA9] =	sst s8  }
0x11: {  	[smem:$0x3FAA] =	sst s9;
	s0 =	simm.s32 @!p0 $0x0  }
0x12: {  	s1 =	sld [smem:$0x3F90];
	s0 =	simm.s32 @p0 $0x1  }
0x13: {  	[smem:$0x3FAB] =	sst s0;
	s0 =	simm.s32 @!p1 $0x0  }
0x14: {  	s2 =	sld [smem:$0x3F8F];
	s0 =	simm.s32 @p1 $0x1  }
0x15: {  	[smem:$0x3FAC] =	sst s0;
	s0 =	simm.s32 @!p2 $0x0  }
0x16: {  	s3 =	sld [smem:$0x3FDB];
	s0 =	simm.s32 @p2 $0x1  }
0x17: {  	s4 =	simm.s32 $0x1BF5;
	[smem:$0x3FAE] =	sst s0  }
0x18: {  	s0 =	sld [smem:$0x3F91];
	_ =	swait.ge [sflag:s4], $0x0  }
0x19: {  	s7 =	sld [smem:$0x3F92]  }
0x1a: {  	s8 =	sadd.s32 $0xFFFFE003, lr  }
0x1b: {  	s9 =	sadd.s32 $0xFFFFFEF7, lr;
	s5 =	simm.s32 $0xFFFFFFFF;
	p2 =	slt.u32 s8, $0xFFFFF086  }
0x1c: {  	p1 =	slt.u32 s9, $0xF7A;
	s5 =	simm.s32 @!p2 $0x0  }
0x1d: {  	s5 =	simm.s32 @p1 $0x1;
	p0 =	seq.s32 s7, s2  }
0x1e: {  	s7 =	smul.u32 @!p0 $0xF7A, s2;
	p2 =	seq.s32 @!p0 s5, $0x0  }
0x1f: {  	s9 =	smul.u32 $0xF7A, s1;
	s8 =	simm.s32 @!p0 $0x1BF5;
	p2 =	por !p2, p0  }
0x20: {  	[sflag:s8] =	ssyncset.s32 @!p0 $0xFFFFF086;
	s6 =	sadd.s32 @!p0 s3, s7;
	s7 =	simm.s32 @!p0 $0x108  }
0x21: {  	s3 =	sadd.s32 s3, s9;
	s6 =	sadd.s32 @!p0 $0x88, s6;
	s7 =	simm.s32 @p2 $0x1082  }
0x22: {  	[simem:s7], [sflag:s8] =	dma.local @!p0 [hbm:s6], $0xF7A  }
0x23: {  	s9 =	sor.u32 $0xD0000000, s2;
	s6 =	simm.s32 $0x108;
	_ =	swait.ge @!p0 [sflag:s8], $0x0  }
0x24: {  	s3 =	sadd.s32 $0x88, s3;
	s6 =	simm.s32 @!p1 $0x1082;
	[sflag:s4] =	ssyncset.s32 $0xFFFFF086  }
0x25: {  	[simem:s6], [sflag:s4] =	dma.local [hbm:s3], $0xF7A  }
0x26: {  	[smem:$0x3F92] =	sst s1;
	(tag) =	ssettag s2;
	_ =	strace s9  }
0x27: {  	s1 =	sld [smem:$0x3FA2]  }
0x28: {  	s2 =	sld [smem:$0x3FA3]  }
0x29: {  	s4 =	sld [smem:$0x3FA5]  }
0x2a: {  	p0 =	seq.s32 s5, $0x0;
	s5 =	sld [smem:$0x3FA6]  }
0x2b: {  	s6 =	sld [smem:$0x3FA7]  }
0x2c: {  	s7 =	sld [smem:$0x3FA8]  }
0x2d: {  	s3 =	simm.s32 $0x108;
	s8 =	sld [smem:$0x3FA9]  }
0x2e: {  	s3 =	simm.s32 @!p0 $0x1082;
	s9 =	sld [smem:$0x3FAA]  }
0x2f: {  	lr =	sadd.s32 s0, s3;
	s0 =	sld [smem:$0x3FA1]  }
0x30: {  	s3 =	sld [smem:$0x3FA4]  }
0x31: {  	[smem:$0x3FAD] =	sst s10  }
0x32: {  	s10 =	sld [smem:$0x3FAB];
	_ =	sdelay $0x3  }
0x33: {  	p0 =	seq.s32 s10, $0x1;
	s10 =	sld [smem:$0x3FAD];
	_ =	sdelay $0x3  }
0x34: {  	[smem:$0x3FAD] =	sst s10  }
0x35: {  	s10 =	sld [smem:$0x3FAC];
	_ =	sdelay $0x3  }
0x36: {  	p1 =	seq.s32 s10, $0x1;
	s10 =	sld [smem:$0x3FAD];
	_ =	sdelay $0x3  }
0x37: {  	[smem:$0x3FAD] =	sst s10  }
0x38: {  	s10 =	sld [smem:$0x3FAE]  }
0x39: {  	_ = 	snop;
	(pc) =	sbr.ind lr, $3  }
0x3a: {  	_ = 	snop  }
0x3b: {  	_ = 	snop  }
0x3c: {  	p2 =	seq.s32 s10, $0x1;
	s10 =	sld [smem:$0x3FAD]  }
0x3d: {  	_ =	shalt  }
0x3e: {  	_ =	shalt  }
0x3f: {  	_ =	shalt  }
0x40: {  	_ =	shalt  }
0x41: {  	_ =	shalt  }
0x42: {  	_ =	shalt  }
0x43: {  	_ =	shalt  }
0x44: {  	_ =	shalt  }
0x45: {  	_ =	shalt  }
0x46: {  	_ =	shalt  }
0x47: {  	_ =	shalt  }
0x48: {  	_ =	shalt  }
0x49: {  	_ =	shalt  }
0x4a: {  	_ =	shalt  }
0x4b: {  	_ =	shalt  }
0x4c: {  	_ =	shalt  }
0x4d: {  	_ =	shalt  }
0x4e: {  	_ =	shalt  }
0x4f: {  	_ =	shalt  }
0x50: {  	_ =	shalt  }
0x51: {  	_ =	shalt  }
0x52: {  	_ =	shalt  }
0x53: {  	_ =	shalt  }
0x54: {  	_ =	shalt  }
0x55: {  	_ =	shalt  }
0x56: {  	_ =	shalt  }
0x57: {  	_ =	shalt  }
0x58: {  	_ =	shalt  }
0x59: {  	_ =	shalt  }
0x5a: {  	_ =	shalt  }
0x5b: {  	_ =	shalt  }
0x5c: {  	_ =	shalt  }
0x5d: {  	_ =	shalt  }
0x5e: {  	_ =	shalt  }
0x5f: {  	_ =	shalt  }
0x60: {  	_ =	shalt  }
0x61: {  	_ =	shalt  }
0x62: {  	_ =	shalt  }
0x63: {  	_ =	shalt  }
0x64: {  	_ =	shalt  }
0x65: {  	_ =	shalt  }
0x66: {  	_ =	shalt  }
0x67: {  	_ =	shalt  }
0x68: {  	_ =	shalt  }
0x69: {  	_ =	shalt  }
0x6a: {  	_ =	shalt  }
0x6b: {  	_ =	shalt  }
0x6c: {  	_ =	shalt  }
0x6d: {  	_ =	shalt  }
0x6e: {  	_ =	shalt  }
0x6f: {  	_ =	shalt  }
0x70: {  	_ =	shalt  }
0x71: {  	_ =	shalt  }
0x72: {  	_ =	shalt  }
0x73: {  	_ =	shalt  }
0x74: {  	_ =	shalt  }
0x75: {  	_ =	shalt  }
0x76: {  	_ =	shalt  }
0x77: {  	_ =	shalt  }
0x78: {  	_ =	shalt  }
0x79: {  	_ =	shalt  }
0x7a: {  	_ =	shalt  }
0x7b: {  	_ =	shalt  }
0x7c: {  	_ =	shalt  }
0x7d: {  	_ =	shalt  }
0x7e: {  	_ =	shalt  }
0x7f: {  	_ =	shalt  }
0x80: {  	_ =	shalt  }
0x81: {  	_ =	shalt  }
0x82: {  	_ =	shalt  }
0x83: {  	_ =	shalt  }
0x84: {  	_ =	shalt  }
0x85: {  	_ =	shalt  }
0x86: {  	_ =	shalt  }
0x87: {  	_ =	shalt  }
.Lfunc_end0:
.L_simem_size_0:
called_computation_lowered:
.L_overlay_start_0:
0x88: {  	s2 =	sld [smem:$0x3FD9]  }
0x89: {  	s3 =	sld [smem:$0x3FFE];
	_ =	sdelay $0x1  }
0x8a: {  	s1 =	srdreg.scid  }
0x8b: {  	s0 =	sand.u32 $0x1, s1  }
0x8c: {  	s17 =	sshll.u32 s0, $0xA;
	s2 =	sadd.s32 s3, s2  }
0x8d: {  	s2 =	sadd.s32 s2, s17  }
0x8e: {  	[smem:$0x3FB9] =	sst s2  }
0x8f: {  	_ = 	snop  }
0x90: {  	s2 =	sld [smem:$0x3FD0];
	(tm) =	ssettm $0x1  }
0x91: {  	s18 =	sld [smem:$0x3FFB];
	_ =	sdelay $0x3  }
0x92: {  	_ =	strace s18  }
0x93: {  	s3 =	sld [smem:$0x3FFC];
	_ =	sdelay $0x3  }
0x94: {  	_ =	strace s3  }
0x95: {  	s3 =	sld [smem:$0x3FFD];
	_ =	sdelay $0x3  }
0x96: {  	_ =	strace s3  }
0x97: {  	_ =	strace $0x8FFFFFFF  }
0x98: {  	s19 =	sld [smem:$0x3FDB];
	_ =	sdelay $0x1  }
0x99: {  	s4 =	simm.s32 $_scs_section_size  }
0x9a: {  	s5 =	simm.s32 $_size__tile_overlayer_lowered;
	s6 =	simm.s32 $_tile_overlayer_lowered  }
0x9b: {  	s22 =	simm.s32 $0x1BFF;
	s21 =	sshll.u32 s6, $0x1;
	s3 =	sadd.s32 s4, s19  }
0x9c: {  	s7 =	simm.s32 $0x0;
	s20 =	sshll.u32 s5, $0x1;
	s5 =	sadd.s32 s21, s3  }
0x9d: {  	[timem:s7], [sflag:s22] =	dma.local [hbm:s5], s20  }
0x9e: {  	_ =	swait.ge [sflag:s22], s20  }
0x9f: {  	s4 =	ssub.s32 $0x0, s20;
	[sflag:s22] =	ssyncset.done $0x0  }
0xa0: {  	[sflag:s22] =	ssyncadd.s32 s4;
	_ =	sdelay $0x1  }
0xa1: {  	s23 =	simm.s32 $0x1B8B  }
0xa2: {  	_ =	swait.ge [sflag:s23], $0x1  }
0xa3: {  	[sflag:s23] =	ssyncset.done $0x0  }
0xa4: {  	s25 =	simm.s32 $0x1B8E;
	s24 =	sld [smem:$0x3FFE];
	[sflag:s23] =	ssyncadd.s32 $0xFFFFFFFF  }
0xa5: {  	s26 =	simm.s32 $execute0_lowered;
	[smem:$0x3FD2] =	sst s25  }
0xa6: {  	s5 =	sshll.u32 s26, $0x1;
	_ =	strace $0x80000046;
	[dreg:$0x1] =	wrdreg $0xFFFFFFFF  }
0xa7: {  	s28 =	simm.s32 $_size_execute0_lowered;
	s3 =	sadd.s32 s3, s5;
	[dreg:$0x0] =	wrdreg $0x0  }
0xa8: {  	s5 =	sshll.u32 s28, $0x1;
	[dreg:$0x2] =	wrdreg s3  }
0xa9: {  	[dreg:$0x3] =	wrdreg s5  }
0xaa: {  	[dreg:$0x4] =	wrdreg $0xC0  }
0xab: {  	_ =	task [dreg:s7], $0x5FFFF  }
0xac: {  	[dreg:$0x1] =	wrdreg $0xFFFFFFFF  }
0xad: {  	[dreg:$0x0] =	wrdreg $0x60  }
0xae: {  	[dreg:$0x2] =	wrdreg s24  }
0xaf: {  	[dreg:$0x3] =	wrdreg s2  }
0xb0: {  	[dreg:$0x4] =	wrdreg $0x40800  }
0xb1: {  	[dreg:$0x5] =	wrdreg $0x9  }
0xb2: {  	_ =	task.clear_ibuf [dreg:s7], $0x6FFFF;
	_ =	strace $0x90000046  }
0xb3: {  	s29 =	simm.s32 $0x9;
	_ =	strace $0x80000048  }
0xb4: {  	_ =	swait.ge [sflag:s29], $0x1  }
0xb5: {  	[sflag:s29] =	ssyncadd.s32 $0xFFFFFFFF  }
0xb6: {  	_ =	strace $0x90000048  }
0xb7: {  	_ =	sfence  }
0xb8: {  	s30 =	sld [smem:$0x0];
	_ =	sdelay $0x2  }
0xb9: {  	s31 =	sshll.u32 s1, $0xD;
	s1 =	sshrl.u32 s1, $0x2  }
0xba: {  	s3 =	sand.u32 $0x4000, s31;
	s1 =	sadd.s32 s1, s30  }
0xbb: {  	s0 =	sor.u32 s3, s0;
	s1 =	sshll.u32 s1, $0x11  }
0xbc: {  	s0 =	sor.u32 s1, s0  }
0xbd: {  	s0 =	sadd.s32 $0x8F2B, s0  }
0xbe: {  	[sflag:s0] =	ssyncadd.remote.s32 $0x1  }
0xbf: {  	_ =	sfence.sel $0xFFFF  }
0xc0: {  	[dreg:$0x0] =	wrdreg $0xFFFFFFFF;
	(pc) =	sbr.abs _section_cstart, $3  }
0xc1: {  	[dreg:$0x1] =	wrdreg $0xFFFFFFFF  }
0xc2: {  	_ =	task.clear_ibuf [dreg:s7], $0x2FFFF;
	_ =	strace $0x9FFFFFFF  }
0xc3: {  	(tm) =	ssettm $0x7FFFFFFF  }
tec
execute0_lowered:
.L_overlay_start_1:
0x0: {  	(tag) =	ssettag $0x1  }
0x1: {  	s7 =	rddreg [dreg:$0x0]  }
0x2: {  	s1 =	rddreg [dreg:$0x1]  }
0x3: {  	s3 =	rddreg [dreg:$0x2]  }
0x4: {  	s0 =	rddreg [dreg:$0x3];
	s4 =	simm.s32 $0x0;
	s2 =	stileid.u32  }
0x5: {  	s6 =	srdreg.scid;
	s13 =	simm.s32 $0x1;
	s16 =	simm.s32 $0x0  }
0x6: {  	[smem:$0x7FF] =	sst s4;
	s5 =	smul.u32 $0xA00, s2;
	s8 =	sand.u32 $0x1, s6  }
0x7: {  	s10 =	smul.u32 $0x50000, s2;
	s6 =	sadd.s32 $0x23200, s7;
	s14 =	sshll.u32 s2, $0x6  }
0x8: {  	s9 =	ssub.s32 $0x2, s8;
	p0 =	seq.s32 s8, $0x1;
	s8 =	smul.u32 $0x2800, s2  }
.Ltmp0:
0x9: {  	_ =	strace $0x80000047;
	s14 =	sor.u32 $0x1C01, s14;
	(pc) =	sbr.rel .LBB2_1-.Ltmp0, $4  }
0xa: {  	s11 =	sadd.s32 s5, s7;
	s5 =	sadd.s32 $0x22A00, s7;
	s12 =	sshrl.u32 s9, $0x1  }
0xb: {  	s7 =	sadd.s32 $0x4B200, s7;
	s10 =	sshrl.u32 s10, $0x2;
	s9 =	ssub.s32 s9, s12  }
0xc: {  	s15 =	sadd.s32 s10, s3;
	s10 =	sadd.s32 $0x18A00, s11;
	s11 =	sadd.s32 $0x4A00, s11  }
0xd: {  	s12 =	simm.s32 $0x80;
	s9 =	smax.u32 s9, $0x1;
	s15 =	sshrl.u32 s15, $0x3  }
.LBB2_7:
0xe: {  	s17 =	sadd.s32 s17, s11;
	[sflag:s13] =	ssyncadd.s32 $0xFFFFC000  }
0xf: {  	[tilespmem:s4], [sflag:$0x1] =	stream.linear.gather [hbm4b:s17+s4], $0x80, $0x38;
	[tilespmem:$0x18080] =	vst v63  }
0x10: {  	_ =	swait.ge [sflag:s13], $0x80  }
0x11: {  	[sflag:s13] =	ssyncset.done $0x0  }
0x12: {  	[sflag:s13] =	ssyncadd.s32 $0xFFFFFF80  }
0x13: {  	[spmem:s3] =	stream.indirect.scatter.add.f32 [tilespmem:s12], [sflag:$0x1], $0x80, s4, s12, $0xb8;
	[tilespmem:$0x18080] =	vst v63  }
0x14: {  	_ =	swait.ge [sflag:s13], $0x4000  }
0x15: {  	[sflag:s13] =	ssyncset.done $0x0  }
0x16: {  	s17 =	smov.u32 s7;
	[sflag:s13] =	ssyncadd.s32 $0xFFFFC000  }
.LBB2_8:
0x17: {  	s16 =	sadd.s32 $0x1, s16  }
0x18: {  	p1 =	sne.s32 s16, s9  }
.Ltmp1:
0x19: {  	s17 =	sadd.s32 s17, s8;
	[bflag:$0x0] =	sbarrier.arrive $0xFFFF;
	(pc) =	sbr.rel @!p1 .LBB2_9-.Ltmp1, $4  }
0x1a: {  	[hbm:s17], [sflag:s14] =	dma.local [spmem:s15], $0x2800  }
0x1b: {  	_ =	swait.ge [sflag:s13], $0x2800  }
0x1c: {  	[sflag:s13] =	ssyncset.done $0x0  }
0x1d: {  	[sflag:s13] =	ssyncadd.s32 $0xFFFFD800  }
.LBB2_1:
0x1e: {  	[tilespmem:s12], [sflag:$0x1] =	stream.linear.gather [hbm4b:s5+s4], $0x4000, $0x38;
	[tilespmem:$0x18080] =	vst v63  }
0x1f: {  	_ =	swait.ge [sflag:s13], $0x4000  }
0x20: {  	[sflag:s13] =	ssyncset.done $0x0  }
0x21: {  	[sflag:s13] =	ssyncadd.s32 $0xFFFFC000  }
0x22: {  	[spmem:s15], [sflag:s14] =	dma.local [hbm:s1], $0x2800  }
.Ltmp2:
0x23: {  	_ =	swait.ge [sflag:s13], $0x2800;
	(pc) =	sbr.rel @!p0 .LBB2_2-.Ltmp2, $3  }
0x24: {  	[sflag:s13] =	ssyncset.done $0x0  }
0x25: {  	[sflag:s13] =	ssyncadd.s32 $0xFFFFD800  }
0x26: {  	[bflag:$0x0] =	sbarrier.arrive $0xFFFF;
	_ =	sdelay $0x1  }
0x27: {  	s17 =	sadd.s32 $0x0, s11  }
0x28: {  	[tilespmem:s4], [sflag:$0x1] =	stream.linear.gather [hbm4b:s17+s4], $0x80, $0x38;
	[tilespmem:$0x18080] =	vst v63  }
0x29: {  	_ =	swait.ge [sflag:s13], $0x80  }
0x2a: {  	[sflag:s13] =	ssyncset.done $0x0  }
0x2b: {  	[sflag:s13] =	ssyncadd.s32 $0xFFFFFF80  }
0x2c: {  	[spmem:s3] =	stream.indirect.scatter.add.f32 [tilespmem:s12], [sflag:$0x1], $0x80, s4, s12, $0xb8;
	[tilespmem:$0x18080] =	vst v63  }
0x2d: {  	_ =	swait.ge [sflag:s13], $0x4000  }
0x2e: {  	s18 =	simm.s32 $0x20;
	s17 =	simm.s32 $0x10;
	[sflag:s13] =	ssyncset.done $0x0  }
.LBB2_6:
0x2f: {  	s19 =	sadd.s32 s17, s11  }
0x30: {  	[sflag:s13] =	ssyncadd.s32 $0xFFFFC000;
	s17 =	smov.u32 s18;
	s20 =	sadd.s32 $0x10, s18  }
0x31: {  	[tilespmem:s4], [sflag:$0x1] =	stream.linear.gather [hbm4b:s19+s4], $0x80, $0x38;
	[tilespmem:$0x18080] =	vst v63  }
0x32: {  	p1 =	sne.s32 s18, $0x9F0;
	_ =	swait.ge [sflag:s13], $0x80  }
.Ltmp3:
0x33: {  	[sflag:s13] =	ssyncset.done $0x0;
	(pc) =	sbr.rel @p1 .LBB2_6-.Ltmp3, $4  }
0x34: {  	[sflag:s13] =	ssyncadd.s32 $0xFFFFFF80  }
0x35: {  	[spmem:s3] =	stream.indirect.scatter.add.f32 [tilespmem:s12], [sflag:$0x1], $0x80, s4, s12, $0xb8;
	[tilespmem:$0x18080] =	vst v63  }
0x36: {  	_ =	swait.ge [sflag:s13], $0x4000  }
0x37: {  	s18 =	smov.u32 s20;
	[sflag:s13] =	ssyncset.done $0x0  }
.Ltmp4:
0x38: {  	_ = 	snop;
	(pc) =	sbr.rel .LBB2_7-.Ltmp4, $1  }
0x39: {  	_ =	sdelay $0x3  }
.LBB2_2:
0x3a: {  	s17 =	sadd.s32 $0x0, s10  }
0x3b: {  	[tilespmem:s4], [sflag:$0x1] =	stream.linear.gather [hbm4b:s17+s4], $0x80, $0x38;
	[tilespmem:$0x18080] =	vst v63  }
0x3c: {  	_ =	swait.ge [sflag:s13], $0x80  }
0x3d: {  	[sflag:s13] =	ssyncset.done $0x0  }
0x3e: {  	[sflag:s13] =	ssyncadd.s32 $0xFFFFFF80  }
0x3f: {  	[spmem:s3] =	stream.indirect.scatter.add.f32 [tilespmem:s12], [sflag:$0x1], $0x80, s4, s12, $0xb8;
	[tilespmem:$0x18080] =	vst v63  }
0x40: {  	_ =	swait.ge [sflag:s13], $0x4000  }
0x41: {  	s18 =	simm.s32 $0x20;
	s17 =	simm.s32 $0x10;
	[sflag:s13] =	ssyncset.done $0x0  }
.LBB2_3:
0x42: {  	s19 =	sadd.s32 s17, s10  }
0x43: {  	[sflag:s13] =	ssyncadd.s32 $0xFFFFC000;
	s17 =	smov.u32 s18;
	s20 =	sadd.s32 $0x10, s18  }
0x44: {  	[tilespmem:s4], [sflag:$0x1] =	stream.linear.gather [hbm4b:s19+s4], $0x80, $0x38;
	[tilespmem:$0x18080] =	vst v63  }
0x45: {  	p1 =	seq.s32 s18, $0x9F0;
	_ =	swait.ge [sflag:s13], $0x80  }
.Ltmp5:
0x46: {  	[sflag:s13] =	ssyncset.done $0x0;
	(pc) =	sbr.rel @!p1 .LBB2_3-.Ltmp5, $4  }
0x47: {  	[sflag:s13] =	ssyncadd.s32 $0xFFFFFF80  }
0x48: {  	[spmem:s3] =	stream.indirect.scatter.add.f32 [tilespmem:s12], [sflag:$0x1], $0x80, s4, s12, $0xb8;
	[tilespmem:$0x18080] =	vst v63  }
0x49: {  	_ =	swait.ge [sflag:s13], $0x4000  }
0x4a: {  	s18 =	smov.u32 s20;
	[sflag:s13] =	ssyncset.done $0x0  }
0x4b: {  	s17 =	sadd.s32 s17, s10;
	[sflag:s13] =	ssyncadd.s32 $0xFFFFC000  }
0x4c: {  	[tilespmem:s4], [sflag:$0x1] =	stream.linear.gather [hbm4b:s17+s4], $0x80, $0x38;
	[tilespmem:$0x18080] =	vst v63  }
0x4d: {  	_ =	swait.ge [sflag:s13], $0x80  }
0x4e: {  	[sflag:s13] =	ssyncset.done $0x0  }
.Ltmp6:
0x4f: {  	[sflag:s13] =	ssyncadd.s32 $0xFFFFFF80;
	(pc) =	sbr.rel .LBB2_8-.Ltmp6, $4  }
0x50: {  	[spmem:s3] =	stream.indirect.scatter.add.f32 [tilespmem:s12], [sflag:$0x1], $0x80, s4, s12, $0xb8;
	[tilespmem:$0x18080] =	vst v63  }
0x51: {  	_ =	swait.ge [sflag:s13], $0x4000  }
0x52: {  	[sflag:s13] =	ssyncset.done $0x0  }
0x53: {  	s17 =	smov.u32 s6;
	[sflag:s13] =	ssyncadd.s32 $0xFFFFC000  }
.LBB2_9:
0x54: {  	_ =	sfence.sel $0x180000  }
0x55: {  	[bflag:$0x0] =	sbarrier.arrive $0xFFFF  }
0x56: {  	p0 =	sne.s32 s2, $0x0;
	_ =	strace $0x90000047  }
0x57: {  	s0 =	sadd.s32 @!p0 $0x100000, s0;
	[bflag:$0x2] =	sbarrier.arrive $0xFFFF  }
0x58: {  	[sflag:s0] =	ssyncadd.tile.s32 @!p0 $0x1;
	_ =	shalt  }
.Lfunc_end2:
_tile_overlayer_lowered:
.L_overlay_start_2:
0x59: {  	(tag) =	ssettag $0x2  }
0x5a: {  	s0 =	rddreg [dreg:$0x0];
	s2 =	stileid.u32  }
0x5b: {  	s1 =	rddreg [dreg:$0x1];
	p0 =	sne.s32 s2, $0x0  }
0x5c: {  	s3 =	rddreg [dreg:$0x2];
	[bflag:$0x3] =	sbarrier.arrive $0xFFFF;
	s2 =	simm.s32 @!p0 $0x1C01  }
0x5d: {  	[timem:s3], [sflag:s2] =	dma.local @!p0 [hbm:s0], s1  }
0x5e: {  	s0 =	simm.s32 @!p0 $0x1  }
0x5f: {  	_ =	swait.ge @!p0 [sflag:s0], s1  }
0x60: {  	s1 =	ssub.s32 @!p0 $0x0, s1;
	[sflag:s0] =	ssyncset.done @!p0 $0x0  }
0x61: {  	[sflag:s0] =	ssyncadd.s32 @!p0 s1  }
0x62: {  	[bflag:$0x3] =	sbarrier.arrive $0xFFFF  }
0x63: {  	_ =	shalt  }

// kernel: kernel.17.cloned.1.call-start
scs
__scs_entry_jumppad:
0x0: {  	(pc) =	sbr.rel $0x88, $3  }
0x1: {  	(tag) =	ssettag $0x0;
	lr =	simm.s32 $0x1  }
0x2: {  	[smem:$0x3F92] =	sst lr;
	_ =	strace $0xD0000000  }
0x3: {  	_ = 	snop  }
0x4: {  	_ = 	snop  }
0x5: {  	_ = 	snop  }
0x6: {  	_ = 	snop  }
0x7: {  	_ = 	snop  }
__scs_overlays_trampoline_lowered:
0x8: {  	[smem:$0x3FA1] =	sst s0  }
0x9: {  	[smem:$0x3FA2] =	sst s1  }
0xa: {  	[smem:$0x3FA3] =	sst s2  }
0xb: {  	[smem:$0x3FA4] =	sst s3  }
0xc: {  	[smem:$0x3FA5] =	sst s4  }
0xd: {  	[smem:$0x3FA6] =	sst s5  }
0xe: {  	[smem:$0x3FA7] =	sst s6  }
0xf: {  	[smem:$0x3FA8] =	sst s7  }
0x10: {  	[smem:$0x3FA9] =	sst s8  }
0x11: {  	[smem:$0x3FAA] =	sst s9;
	s0 =	simm.s32 @!p0 $0x0  }
0x12: {  	s1 =	sld [smem:$0x3F90];
	s0 =	simm.s32 @p0 $0x1  }
0x13: {  	[smem:$0x3FAB] =	sst s0;
	s0 =	simm.s32 @!p1 $0x0  }
0x14: {  	s2 =	sld [smem:$0x3F8F];
	s0 =	simm.s32 @p1 $0x1  }
0x15: {  	[smem:$0x3FAC] =	sst s0;
	s0 =	simm.s32 @!p2 $0x0  }
0x16: {  	s3 =	sld [smem:$0x3FDB];
	s0 =	simm.s32 @p2 $0x1  }
0x17: {  	s4 =	simm.s32 $0x1BF5;
	[smem:$0x3FAE] =	sst s0  }
0x18: {  	s0 =	sld [smem:$0x3F91];
	_ =	swait.ge [sflag:s4], $0x0  }
0x19: {  	s7 =	sld [smem:$0x3F92]  }
0x1a: {  	s8 =	sadd.s32 $0xFFFFE003, lr  }
0x1b: {  	s9 =	sadd.s32 $0xFFFFFEF7, lr;
	s5 =	simm.s32 $0xFFFFFFFF;
	p2 =	slt.u32 s8, $0xFFFFF086  }
0x1c: {  	p1 =	slt.u32 s9, $0xF7A;
	s5 =	simm.s32 @!p2 $0x0  }
0x1d: {  	s5 =	simm.s32 @p1 $0x1;
	p0 =	seq.s32 s7, s2  }
0x1e: {  	s7 =	smul.u32 @!p0 $0xF7A, s2;
	p2 =	seq.s32 @!p0 s5, $0x0  }
0x1f: {  	s9 =	smul.u32 $0xF7A, s1;
	s8 =	simm.s32 @!p0 $0x1BF5;
	p2 =	por !p2, p0  }
0x20: {  	[sflag:s8] =	ssyncset.s32 @!p0 $0xFFFFF086;
	s6 =	sadd.s32 @!p0 s3, s7;
	s7 =	simm.s32 @!p0 $0x108  }
0x21: {  	s3 =	sadd.s32 s3, s9;
	s6 =	sadd.s32 @!p0 $0x88, s6;
	s7 =	simm.s32 @p2 $0x1082  }
0x22: {  	[simem:s7], [sflag:s8] =	dma.local @!p0 [hbm:s6], $0xF7A  }
0x23: {  	s9 =	sor.u32 $0xD0000000, s2;
	s6 =	simm.s32 $0x108;
	_ =	swait.ge @!p0 [sflag:s8], $0x0  }
0x24: {  	s3 =	sadd.s32 $0x88, s3;
	s6 =	simm.s32 @!p1 $0x1082;
	[sflag:s4] =	ssyncset.s32 $0xFFFFF086  }
0x25: {  	[simem:s6], [sflag:s4] =	dma.local [hbm:s3], $0xF7A  }
0x26: {  	[smem:$0x3F92] =	sst s1;
	(tag) =	ssettag s2;
	_ =	strace s9  }
0x27: {  	s1 =	sld [smem:$0x3FA2]  }
0x28: {  	s2 =	sld [smem:$0x3FA3]  }
0x29: {  	s4 =	sld [smem:$0x3FA5]  }
0x2a: {  	p0 =	seq.s32 s5, $0x0;
	s5 =	sld [smem:$0x3FA6]  }
0x2b: {  	s6 =	sld [smem:$0x3FA7]  }
0x2c: {  	s7 =	sld [smem:$0x3FA8]  }
0x2d: {  	s3 =	simm.s32 $0x108;
	s8 =	sld [smem:$0x3FA9]  }
0x2e: {  	s3 =	simm.s32 @!p0 $0x1082;
	s9 =	sld [smem:$0x3FAA]  }
0x2f: {  	lr =	sadd.s32 s0, s3;
	s0 =	sld [smem:$0x3FA1]  }
0x30: {  	s3 =	sld [smem:$0x3FA4]  }
0x31: {  	[smem:$0x3FAD] =	sst s10  }
0x32: {  	s10 =	sld [smem:$0x3FAB];
	_ =	sdelay $0x3  }
0x33: {  	p0 =	seq.s32 s10, $0x1;
	s10 =	sld [smem:$0x3FAD];
	_ =	sdelay $0x3  }
0x34: {  	[smem:$0x3FAD] =	sst s10  }
0x35: {  	s10 =	sld [smem:$0x3FAC];
	_ =	sdelay $0x3  }
0x36: {  	p1 =	seq.s32 s10, $0x1;
	s10 =	sld [smem:$0x3FAD];
	_ =	sdelay $0x3  }
0x37: {  	[smem:$0x3FAD] =	sst s10  }
0x38: {  	s10 =	sld [smem:$0x3FAE]  }
0x39: {  	_ = 	snop;
	(pc) =	sbr.ind lr, $3  }
0x3a: {  	_ = 	snop  }
0x3b: {  	_ = 	snop  }
0x3c: {  	p2 =	seq.s32 s10, $0x1;
	s10 =	sld [smem:$0x3FAD]  }
0x3d: {  	_ =	shalt  }
0x3e: {  	_ =	shalt  }
0x3f: {  	_ =	shalt  }
0x40: {  	_ =	shalt  }
0x41: {  	_ =	shalt  }
0x42: {  	_ =	shalt  }
0x43: {  	_ =	shalt  }
0x44: {  	_ =	shalt  }
0x45: {  	_ =	shalt  }
0x46: {  	_ =	shalt  }
0x47: {  	_ =	shalt  }
0x48: {  	_ =	shalt  }
0x49: {  	_ =	shalt  }
0x4a: {  	_ =	shalt  }
0x4b: {  	_ =	shalt  }
0x4c: {  	_ =	shalt  }
0x4d: {  	_ =	shalt  }
0x4e: {  	_ =	shalt  }
0x4f: {  	_ =	shalt  }
0x50: {  	_ =	shalt  }
0x51: {  	_ =	shalt  }
0x52: {  	_ =	shalt  }
0x53: {  	_ =	shalt  }
0x54: {  	_ =	shalt  }
0x55: {  	_ =	shalt  }
0x56: {  	_ =	shalt  }
0x57: {  	_ =	shalt  }
0x58: {  	_ =	shalt  }
0x59: {  	_ =	shalt  }
0x5a: {  	_ =	shalt  }
0x5b: {  	_ =	shalt  }
0x5c: {  	_ =	shalt  }
0x5d: {  	_ =	shalt  }
0x5e: {  	_ =	shalt  }
0x5f: {  	_ =	shalt  }
0x60: {  	_ =	shalt  }
0x61: {  	_ =	shalt  }
0x62: {  	_ =	shalt  }
0x63: {  	_ =	shalt  }
0x64: {  	_ =	shalt  }
0x65: {  	_ =	shalt  }
0x66: {  	_ =	shalt  }
0x67: {  	_ =	shalt  }
0x68: {  	_ =	shalt  }
0x69: {  	_ =	shalt  }
0x6a: {  	_ =	shalt  }
0x6b: {  	_ =	shalt  }
0x6c: {  	_ =	shalt  }
0x6d: {  	_ =	shalt  }
0x6e: {  	_ =	shalt  }
0x6f: {  	_ =	shalt  }
0x70: {  	_ =	shalt  }
0x71: {  	_ =	shalt  }
0x72: {  	_ =	shalt  }
0x73: {  	_ =	shalt  }
0x74: {  	_ =	shalt  }
0x75: {  	_ =	shalt  }
0x76: {  	_ =	shalt  }
0x77: {  	_ =	shalt  }
0x78: {  	_ =	shalt  }
0x79: {  	_ =	shalt  }
0x7a: {  	_ =	shalt  }
0x7b: {  	_ =	shalt  }
0x7c: {  	_ =	shalt  }
0x7d: {  	_ =	shalt  }
0x7e: {  	_ =	shalt  }
0x7f: {  	_ =	shalt  }
0x80: {  	_ =	shalt  }
0x81: {  	_ =	shalt  }
0x82: {  	_ =	shalt  }
0x83: {  	_ =	shalt  }
0x84: {  	_ =	shalt  }
0x85: {  	_ =	shalt  }
0x86: {  	_ =	shalt  }
0x87: {  	_ =	shalt  }
.Lfunc_end0:
.L_simem_size_0:
called_computation.1_lowered:
.L_overlay_start_0:
0x88: {  	s2 =	sld [smem:$0x3FD9]  }
0x89: {  	s3 =	sld [smem:$0x3FFE];
	_ =	sdelay $0x1  }
0x8a: {  	s1 =	srdreg.scid  }
0x8b: {  	s0 =	sand.u32 $0x1, s1  }
0x8c: {  	s17 =	sshll.u32 s0, $0xA;
	s2 =	sadd.s32 s3, s2  }
0x8d: {  	s2 =	sadd.s32 s2, s17  }
0x8e: {  	[smem:$0x3FB9] =	sst s2  }
0x8f: {  	_ = 	snop  }
0x90: {  	s2 =	sld [smem:$0x3FD0];
	(tm) =	ssettm $0x1  }
0x91: {  	s18 =	sld [smem:$0x3FFB];
	_ =	sdelay $0x3  }
0x92: {  	_ =	strace s18  }
0x93: {  	s3 =	sld [smem:$0x3FFC];
	_ =	sdelay $0x3  }
0x94: {  	_ =	strace s3  }
0x95: {  	s3 =	sld [smem:$0x3FFD];
	_ =	sdelay $0x3  }
0x96: {  	_ =	strace s3  }
0x97: {  	_ =	strace $0x8FFFFFFF  }
0x98: {  	s19 =	sld [smem:$0x3FDB];
	_ =	sdelay $0x1  }
0x99: {  	s4 =	simm.s32 $_scs_section_size  }
0x9a: {  	s5 =	simm.s32 $_size__tile_overlayer_lowered;
	s6 =	simm.s32 $_tile_overlayer_lowered  }
0x9b: {  	s22 =	simm.s32 $0x1BFF;
	s21 =	sshll.u32 s6, $0x1;
	s3 =	sadd.s32 s4, s19  }
0x9c: {  	s7 =	simm.s32 $0x0;
	s20 =	sshll.u32 s5, $0x1;
	s5 =	sadd.s32 s21, s3  }
0x9d: {  	[timem:s7], [sflag:s22] =	dma.local [hbm:s5], s20  }
0x9e: {  	_ =	swait.ge [sflag:s22], s20  }
0x9f: {  	s4 =	ssub.s32 $0x0, s20;
	[sflag:s22] =	ssyncset.done $0x0  }
0xa0: {  	[sflag:s22] =	ssyncadd.s32 s4;
	_ =	sdelay $0x1  }
0xa1: {  	s23 =	simm.s32 $0x1B8B  }
0xa2: {  	_ =	swait.ge [sflag:s23], $0x1  }
0xa3: {  	[sflag:s23] =	ssyncset.done $0x0  }
0xa4: {  	s25 =	simm.s32 $0x1B8E;
	s24 =	sld [smem:$0x3FFE];
	[sflag:s23] =	ssyncadd.s32 $0xFFFFFFFF  }
0xa5: {  	s26 =	simm.s32 $execute0_lowered;
	[smem:$0x3FD2] =	sst s25  }
0xa6: {  	s5 =	sshll.u32 s26, $0x1;
	_ =	strace $0x80000049;
	[dreg:$0x1] =	wrdreg $0xFFFFFFFF  }
0xa7: {  	s28 =	simm.s32 $_size_execute0_lowered;
	s3 =	sadd.s32 s3, s5;
	[dreg:$0x0] =	wrdreg $0x0  }
0xa8: {  	s5 =	sshll.u32 s28, $0x1;
	[dreg:$0x2] =	wrdreg s3  }
0xa9: {  	[dreg:$0x3] =	wrdreg s5  }
0xaa: {  	[dreg:$0x4] =	wrdreg $0xC0  }
0xab: {  	_ =	task [dreg:s7], $0x5FFFF  }
0xac: {  	[dreg:$0x1] =	wrdreg $0xFFFFFFFF  }
0xad: {  	[dreg:$0x0] =	wrdreg $0x60  }
0xae: {  	[dreg:$0x2] =	wrdreg s24  }
0xaf: {  	[dreg:$0x3] =	wrdreg s2  }
0xb0: {  	[dreg:$0x4] =	wrdreg $0x41000  }
0xb1: {  	[dreg:$0x5] =	wrdreg $0x9  }
0xb2: {  	_ =	task.clear_ibuf [dreg:s7], $0x6FFFF;
	_ =	strace $0x90000049  }
0xb3: {  	s29 =	simm.s32 $0x9;
	_ =	strace $0x8000004B  }
0xb4: {  	_ =	swait.ge [sflag:s29], $0x1  }
0xb5: {  	[sflag:s29] =	ssyncadd.s32 $0xFFFFFFFF  }
0xb6: {  	_ =	strace $0x9000004B  }
0xb7: {  	_ =	sfence  }
0xb8: {  	s30 =	sld [smem:$0x0];
	_ =	sdelay $0x2  }
0xb9: {  	s31 =	sshll.u32 s1, $0xD;
	s1 =	sshrl.u32 s1, $0x2  }
0xba: {  	s3 =	sand.u32 $0x4000, s31;
	s1 =	sadd.s32 s1, s30  }
0xbb: {  	s0 =	sor.u32 s3, s0;
	s1 =	sshll.u32 s1, $0x11  }
0xbc: {  	s0 =	sor.u32 s1, s0  }
0xbd: {  	s0 =	sadd.s32 $0x8F2B, s0  }
0xbe: {  	[sflag:s0] =	ssyncadd.remote.s32 $0x1  }
0xbf: {  	_ =	sfence.sel $0xFFFF  }
0xc0: {  	[dreg:$0x0] =	wrdreg $0xFFFFFFFF;
	(pc) =	sbr.abs _section_cstart, $3  }
0xc1: {  	[dreg:$0x1] =	wrdreg $0xFFFFFFFF  }
0xc2: {  	_ =	task.clear_ibuf [dreg:s7], $0x2FFFF;
	_ =	strace $0x9FFFFFFF  }
0xc3: {  	(tm) =	ssettm $0x7FFFFFFF  }
tec
execute0_lowered:
.L_overlay_start_1:
0x0: {  	(tag) =	ssettag $0x1  }
0x1: {  	s8 =	rddreg [dreg:$0x0]  }
0x2: {  	s1 =	rddreg [dreg:$0x1]  }
0x3: {  	s2 =	rddreg [dreg:$0x2]  }
0x4: {  	s0 =	rddreg [dreg:$0x3];
	s4 =	simm.s32 $0x0;
	s3 =	stileid.u32  }
0x5: {  	s9 =	srdreg.scid;
	s15 =	simm.s32 $0x2;
	s16 =	simm.s32 $0x80  }
0x6: {  	s17 =	simm.s32 $0x100;
	s18 =	simm.s32 $0x1;
	s19 =	simm.s32 $0x0  }
0x7: {  	[smem:$0x7FF] =	sst s4;
	s5 =	sadd.s32 $0x73200, s8;
	s7 =	smul.u32 $0xA00, s3  }
0x8: {  	s6 =	sadd.s32 $0x4AA00, s8;
	s10 =	sand.u32 $0x1, s9;
	s30 =	smul.u32 $0x50000, s3  }
0x9: {  	s11 =	ssub.s32 $0x2, s10;
	p0 =	seq.s32 s10, $0x1;
	s10 =	smul.u32 $0x2800, s3  }
.Ltmp0:
0xa: {  	s31 =	sshll.u32 s3, $0x6;
	_ =	strace $0x8000004A;
	(pc) =	sbr.rel .LBB2_1-.Ltmp0, $4  }
0xb: {  	s13 =	sadd.s32 s7, s8;
	s7 =	sadd.s32 $0x9A400, s8;
	s12 =	sshrl.u32 s11, $0x1  }
0xc: {  	s8 =	sadd.s32 $0xC2400, s8;
	s9 =	sshrl.u32 s30, $0x2;
	s11 =	ssub.s32 s11, s12  }
0xd: {  	s14 =	sadd.s32 s9, s2;
	s9 =	sor.u32 $0x1C02, s31;
	s12 =	sadd.s32 $0x18A00, s13  }
0xe: {  	s13 =	sadd.s32 $0xEA00, s13;
	s11 =	smax.u32 s11, $0x1;
	s14 =	sshrl.u32 s14, $0x3  }
.LBB2_7:
0xf: {  	s21 =	sadd.s32 s20, s13;
	[sflag:s15] =	ssyncadd.s32 $0xFFFFC000  }
0x10: {  	[tilespmem:s4], [sflag:$0x2] =	stream.linear.gather [hbm4b:s21+s4], $0x80, $0x38;
	[tilespmem:$0x18100] =	vst v63  }
0x11: {  	_ =	swait.ge [sflag:s15], $0x80  }
0x12: {  	[sflag:s15] =	ssyncset.done $0x0  }
0x13: {  	s31 =	sadd.s32 s20, s12;
	[sflag:s15] =	ssyncadd.s32 $0xFFFFFF80  }
0x14: {  	[tilespmem:s16], [sflag:$0x2] =	stream.linear.gather [hbm4b:s31+s4], $0x80, $0x38;
	[tilespmem:$0x18100] =	vst v63  }
0x15: {  	_ =	swait.ge [sflag:s15], $0x80  }
0x16: {  	[sflag:s15] =	ssyncset.done $0x0  }
0x17: {  	[sflag:s15] =	ssyncadd.s32 $0xFFFFFF80  }
0x18: {  	[tilespmem:s17], [sflag:$0x1] =	stream.indirect.gather [hbm4b:s6+s16], $0x80, s4, s16, $0xb8;
	[tilespmem:$0x18100] =	vst v63  }
0x19: {  	_ =	swait.ge [sflag:s18], $0x4000  }
0x1a: {  	[sflag:s18] =	ssyncset.done $0x0  }
0x1b: {  	[sflag:s18] =	ssyncadd.s32 $0xFFFFC000  }
0x1c: {  	[spmem:s2] =	stream.indirect.scatter.add.f32 [tilespmem:s17], [sflag:$0x2], $0x80, s16, s16, $0xb8;
	[tilespmem:$0x18100] =	vst v63  }
0x1d: {  	_ =	swait.ge [sflag:s15], $0x4000  }
0x1e: {  	[sflag:s15] =	ssyncset.done $0x0  }
0x1f: {  	s20 =	smov.u32 s8;
	[sflag:s15] =	ssyncadd.s32 $0xFFFFC000  }
.LBB2_8:
0x20: {  	s19 =	sadd.s32 $0x1, s19  }
0x21: {  	p1 =	sne.s32 s19, s11  }
.Ltmp1:
0x22: {  	s20 =	sadd.s32 s20, s10;
	[bflag:$0x0] =	sbarrier.arrive $0xFFFF;
	(pc) =	sbr.rel @!p1 .LBB2_9-.Ltmp1, $4  }
0x23: {  	[hbm:s20], [sflag:s9] =	dma.local [spmem:s14], $0x2800  }
0x24: {  	_ =	swait.ge [sflag:s15], $0x2800  }
0x25: {  	[sflag:s15] =	ssyncset.done $0x0  }
0x26: {  	[sflag:s15] =	ssyncadd.s32 $0xFFFFD800  }
.LBB2_1:
0x27: {  	[spmem:s14], [sflag:s9] =	dma.local [hbm:s1], $0x2800  }
.Ltmp2:
0x28: {  	_ =	swait.ge [sflag:s15], $0x2800;
	(pc) =	sbr.rel @!p0 .LBB2_2-.Ltmp2, $4  }
0x29: {  	[sflag:s15] =	ssyncset.done $0x0  }
0x2a: {  	[sflag:s15] =	ssyncadd.s32 $0xFFFFD800  }
0x2b: {  	[bflag:$0x0] =	sbarrier.arrive $0xFFFF  }
0x2c: {  	s20 =	sadd.s32 $0x0, s13  }
0x2d: {  	[tilespmem:s4], [sflag:$0x2] =	stream.linear.gather [hbm4b:s20+s4], $0x80, $0x38;
	[tilespmem:$0x18100] =	vst v63  }
0x2e: {  	_ =	swait.ge [sflag:s15], $0x80  }
0x2f: {  	[sflag:s15] =	ssyncset.done $0x0  }
0x30: {  	s31 =	sadd.s32 $0x0, s12;
	[sflag:s15] =	ssyncadd.s32 $0xFFFFFF80  }
0x31: {  	[tilespmem:s16], [sflag:$0x2] =	stream.linear.gather [hbm4b:s31+s4], $0x80, $0x38;
	[tilespmem:$0x18100] =	vst v63  }
0x32: {  	_ =	swait.ge [sflag:s15], $0x80  }
0x33: {  	[sflag:s15] =	ssyncset.done $0x0  }
0x34: {  	[sflag:s15] =	ssyncadd.s32 $0xFFFFFF80  }
0x35: {  	[tilespmem:s17], [sflag:$0x1] =	stream.indirect.gather [hbm4b:s6+s16], $0x80, s4, s16, $0xb8;
	[tilespmem:$0x18100] =	vst v63  }
0x36: {  	_ =	swait.ge [sflag:s18], $0x4000  }
0x37: {  	[sflag:s18] =	ssyncset.done $0x0  }
0x38: {  	[sflag:s18] =	ssyncadd.s32 $0xFFFFC000  }
0x39: {  	[spmem:s2] =	stream.indirect.scatter.add.f32 [tilespmem:s17], [sflag:$0x2], $0x80, s16, s16, $0xb8;
	[tilespmem:$0x18100] =	vst v63  }
0x3a: {  	_ =	swait.ge [sflag:s15], $0x4000  }
0x3b: {  	s20 =	simm.s32 $0x10;
	s21 =	simm.s32 $0x20;
	[sflag:s15] =	ssyncset.done $0x0  }
.LBB2_6:
0x3c: {  	s22 =	sadd.s32 s20, s13  }
0x3d: {  	[sflag:s15] =	ssyncadd.s32 $0xFFFFC000;
	s23 =	smov.u32 s21;
	s24 =	sadd.s32 $0x10, s21  }
0x3e: {  	[tilespmem:s4], [sflag:$0x2] =	stream.linear.gather [hbm4b:s22+s4], $0x80, $0x38;
	[tilespmem:$0x18100] =	vst v63  }
0x3f: {  	p1 =	sne.s32 s21, $0x9F0;
	_ =	swait.ge [sflag:s15], $0x80  }
0x40: {  	[sflag:s15] =	ssyncset.done $0x0  }
0x41: {  	s21 =	sadd.s32 s20, s12;
	s20 =	smov.u32 s23;
	[sflag:s15] =	ssyncadd.s32 $0xFFFFFF80  }
0x42: {  	[tilespmem:s16], [sflag:$0x2] =	stream.linear.gather [hbm4b:s21+s4], $0x80, $0x38;
	[tilespmem:$0x18100] =	vst v63  }
0x43: {  	_ =	swait.ge [sflag:s15], $0x80  }
0x44: {  	[sflag:s15] =	ssyncset.done $0x0  }
0x45: {  	[sflag:s15] =	ssyncadd.s32 $0xFFFFFF80  }
0x46: {  	[tilespmem:s17], [sflag:$0x1] =	stream.indirect.gather [hbm4b:s6+s16], $0x80, s4, s16, $0xb8;
	[tilespmem:$0x18100] =	vst v63  }
0x47: {  	_ =	swait.ge [sflag:s18], $0x4000  }
.Ltmp3:
0x48: {  	[sflag:s18] =	ssyncset.done $0x0;
	(pc) =	sbr.rel @p1 .LBB2_6-.Ltmp3, $4  }
0x49: {  	[sflag:s18] =	ssyncadd.s32 $0xFFFFC000  }
0x4a: {  	[spmem:s2] =	stream.indirect.scatter.add.f32 [tilespmem:s17], [sflag:$0x2], $0x80, s16, s16, $0xb8;
	[tilespmem:$0x18100] =	vst v63  }
0x4b: {  	_ =	swait.ge [sflag:s15], $0x4000  }
0x4c: {  	s21 =	smov.u32 s24;
	[sflag:s15] =	ssyncset.done $0x0  }
.Ltmp4:
0x4d: {  	_ = 	snop;
	(pc) =	sbr.rel .LBB2_7-.Ltmp4, $1  }
0x4e: {  	_ =	sdelay $0x3  }
.LBB2_2:
0x4f: {  	[tilespmem:s4], [sflag:$0x2] =	stream.linear.gather [hbm4b:s20+s4], $0x80, $0x38;
	[tilespmem:$0x18100] =	vst v63  }
0x50: {  	_ =	swait.ge [sflag:s15], $0x80  }
0x51: {  	[sflag:s15] =	ssyncset.done $0x0  }
0x52: {  	s31 =	sadd.s32 $0x0, s12;
	[sflag:s15] =	ssyncadd.s32 $0xFFFFFF80  }
0x53: {  	[tilespmem:s16], [sflag:$0x2] =	stream.linear.gather [hbm4b:s31+s4], $0x80, $0x38;
	[tilespmem:$0x18100] =	vst v63  }
0x54: {  	_ =	swait.ge [sflag:s15], $0x80  }
0x55: {  	[sflag:s15] =	ssyncset.done $0x0  }
0x56: {  	[sflag:s15] =	ssyncadd.s32 $0xFFFFFF80  }
0x57: {  	[tilespmem:s17], [sflag:$0x1] =	stream.indirect.gather [hbm4b:s5+s16], $0x80, s4, s16, $0xb8;
	[tilespmem:$0x18100] =	vst v63  }
0x58: {  	_ =	swait.ge [sflag:s18], $0x4000  }
0x59: {  	[sflag:s18] =	ssyncset.done $0x0  }
0x5a: {  	[sflag:s18] =	ssyncadd.s32 $0xFFFFC000  }
0x5b: {  	[spmem:s2] =	stream.indirect.scatter.add.f32 [tilespmem:s17], [sflag:$0x2], $0x80, s16, s16, $0xb8;
	[tilespmem:$0x18100] =	vst v63  }
0x5c: {  	_ =	swait.ge [sflag:s15], $0x4000  }
0x5d: {  	s20 =	simm.s32 $0x10;
	s21 =	simm.s32 $0x20;
	[sflag:s15] =	ssyncset.done $0x0  }
.LBB2_3:
0x5e: {  	s22 =	sadd.s32 s20, s13  }
0x5f: {  	[sflag:s15] =	ssyncadd.s32 $0xFFFFC000;
	s23 =	smov.u32 s21;
	s24 =	sadd.s32 $0x10, s21  }
0x60: {  	[tilespmem:s4], [sflag:$0x2] =	stream.linear.gather [hbm4b:s22+s4], $0x80, $0x38;
	[tilespmem:$0x18100] =	vst v63  }
0x61: {  	p1 =	seq.s32 s21, $0x9F0;
	_ =	swait.ge [sflag:s15], $0x80  }
0x62: {  	[sflag:s15] =	ssyncset.done $0x0  }
0x63: {  	s21 =	sadd.s32 s20, s12;
	s20 =	smov.u32 s23;
	[sflag:s15] =	ssyncadd.s32 $0xFFFFFF80  }
0x64: {  	[tilespmem:s16], [sflag:$0x2] =	stream.linear.gather [hbm4b:s21+s4], $0x80, $0x38;
	[tilespmem:$0x18100] =	vst v63  }
0x65: {  	_ =	swait.ge [sflag:s15], $0x80  }
0x66: {  	[sflag:s15] =	ssyncset.done $0x0  }
0x67: {  	[sflag:s15] =	ssyncadd.s32 $0xFFFFFF80  }
0x68: {  	[tilespmem:s17], [sflag:$0x1] =	stream.indirect.gather [hbm4b:s5+s16], $0x80, s4, s16, $0xb8;
	[tilespmem:$0x18100] =	vst v63  }
0x69: {  	_ =	swait.ge [sflag:s18], $0x4000  }
.Ltmp5:
0x6a: {  	[sflag:s18] =	ssyncset.done $0x0;
	(pc) =	sbr.rel @!p1 .LBB2_3-.Ltmp5, $4  }
0x6b: {  	[sflag:s18] =	ssyncadd.s32 $0xFFFFC000  }
0x6c: {  	[spmem:s2] =	stream.indirect.scatter.add.f32 [tilespmem:s17], [sflag:$0x2], $0x80, s16, s16, $0xb8;
	[tilespmem:$0x18100] =	vst v63  }
0x6d: {  	_ =	swait.ge [sflag:s15], $0x4000  }
0x6e: {  	s21 =	smov.u32 s24;
	[sflag:s15] =	ssyncset.done $0x0  }
0x6f: {  	s21 =	sadd.s32 s20, s13;
	[sflag:s15] =	ssyncadd.s32 $0xFFFFC000  }
0x70: {  	[tilespmem:s4], [sflag:$0x2] =	stream.linear.gather [hbm4b:s21+s4], $0x80, $0x38;
	[tilespmem:$0x18100] =	vst v63  }
0x71: {  	_ =	swait.ge [sflag:s15], $0x80  }
0x72: {  	[sflag:s15] =	ssyncset.done $0x0  }
0x73: {  	s31 =	sadd.s32 s20, s12;
	[sflag:s15] =	ssyncadd.s32 $0xFFFFFF80  }
0x74: {  	[tilespmem:s16], [sflag:$0x2] =	stream.linear.gather [hbm4b:s31+s4], $0x80, $0x38;
	[tilespmem:$0x18100] =	vst v63  }
0x75: {  	_ =	swait.ge [sflag:s15], $0x80  }
0x76: {  	[sflag:s15] =	ssyncset.done $0x0  }
0x77: {  	[sflag:s15] =	ssyncadd.s32 $0xFFFFFF80  }
0x78: {  	[tilespmem:s17], [sflag:$0x1] =	stream.indirect.gather [hbm4b:s5+s16], $0x80, s4, s16, $0xb8;
	[tilespmem:$0x18100] =	vst v63  }
0x79: {  	_ =	swait.ge [sflag:s18], $0x4000  }
0x7a: {  	[sflag:s18] =	ssyncset.done $0x0  }
.Ltmp6:
0x7b: {  	[sflag:s18] =	ssyncadd.s32 $0xFFFFC000;
	(pc) =	sbr.rel .LBB2_8-.Ltmp6, $4  }
0x7c: {  	[spmem:s2] =	stream.indirect.scatter.add.f32 [tilespmem:s17], [sflag:$0x2], $0x80, s16, s16, $0xb8;
	[tilespmem:$0x18100] =	vst v63  }
0x7d: {  	_ =	swait.ge [sflag:s15], $0x4000  }
0x7e: {  	[sflag:s15] =	ssyncset.done $0x0  }
0x7f: {  	s20 =	smov.u32 s7;
	[sflag:s15] =	ssyncadd.s32 $0xFFFFC000  }
.LBB2_9:
0x80: {  	_ =	sfence.sel $0x180000  }
0x81: {  	[bflag:$0x0] =	sbarrier.arrive $0xFFFF  }
0x82: {  	p0 =	sne.s32 s3, $0x0;
	_ =	strace $0x9000004A  }
0x83: {  	s0 =	sadd.s32 @!p0 $0x100000, s0;
	[bflag:$0x2] =	sbarrier.arrive $0xFFFF  }
0x84: {  	[sflag:s0] =	ssyncadd.tile.s32 @!p0 $0x1;
	_ =	shalt  }
.Lfunc_end2:
_tile_overlayer_lowered:
.L_overlay_start_2:
0x85: {  	(tag) =	ssettag $0x2  }
0x86: {  	s0 =	rddreg [dreg:$0x0];
	s2 =	stileid.u32  }
0x87: {  	s1 =	rddreg [dreg:$0x1];
	p0 =	sne.s32 s2, $0x0  }
0x88: {  	s3 =	rddreg [dreg:$0x2];
	[bflag:$0x3] =	sbarrier.arrive $0xFFFF;
	s2 =	simm.s32 @!p0 $0x1C02  }
0x89: {  	[timem:s3], [sflag:s2] =	dma.local @!p0 [hbm:s0], s1  }
0x8a: {  	s0 =	simm.s32 @!p0 $0x2  }
0x8b: {  	_ =	swait.ge @!p0 [sflag:s0], s1  }
0x8c: {  	s1 =	ssub.s32 @!p0 $0x0, s1;
	[sflag:s0] =	ssyncset.done @!p0 $0x0  }
0x8d: {  	[sflag:s0] =	ssyncadd.s32 @!p0 s1  }
0x8e: {  	[bflag:$0x3] =	sbarrier.arrive $0xFFFF  }
0x8f: {  	_ =	shalt  }

// kernel: kernel.20.cloned.1.call-start
scs
__scs_entry_jumppad:
0x0: {  	(pc) =	sbr.rel $0x88, $3  }
0x1: {  	(tag) =	ssettag $0x0;
	lr =	simm.s32 $0x1  }
0x2: {  	[smem:$0x3F92] =	sst lr;
	_ =	strace $0xD0000000  }
0x3: {  	_ = 	snop  }
0x4: {  	_ = 	snop  }
0x5: {  	_ = 	snop  }
0x6: {  	_ = 	snop  }
0x7: {  	_ = 	snop  }
__scs_overlays_trampoline_lowered:
0x8: {  	[smem:$0x3FA1] =	sst s0  }
0x9: {  	[smem:$0x3FA2] =	sst s1  }
0xa: {  	[smem:$0x3FA3] =	sst s2  }
0xb: {  	[smem:$0x3FA4] =	sst s3  }
0xc: {  	[smem:$0x3FA5] =	sst s4  }
0xd: {  	[smem:$0x3FA6] =	sst s5  }
0xe: {  	[smem:$0x3FA7] =	sst s6  }
0xf: {  	[smem:$0x3FA8] =	sst s7  }
0x10: {  	[smem:$0x3FA9] =	sst s8  }
0x11: {  	[smem:$0x3FAA] =	sst s9;
	s0 =	simm.s32 @!p0 $0x0  }
0x12: {  	s1 =	sld [smem:$0x3F90];
	s0 =	simm.s32 @p0 $0x1  }
0x13: {  	[smem:$0x3FAB] =	sst s0;
	s0 =	simm.s32 @!p1 $0x0  }
0x14: {  	s2 =	sld [smem:$0x3F8F];
	s0 =	simm.s32 @p1 $0x1  }
0x15: {  	[smem:$0x3FAC] =	sst s0;
	s0 =	simm.s32 @!p2 $0x0  }
0x16: {  	s3 =	sld [smem:$0x3FDB];
	s0 =	simm.s32 @p2 $0x1  }
0x17: {  	s4 =	simm.s32 $0x1BF5;
	[smem:$0x3FAE] =	sst s0  }
0x18: {  	s0 =	sld [smem:$0x3F91];
	_ =	swait.ge [sflag:s4], $0x0  }
0x19: {  	s7 =	sld [smem:$0x3F92]  }
0x1a: {  	s8 =	sadd.s32 $0xFFFFE003, lr  }
0x1b: {  	s9 =	sadd.s32 $0xFFFFFEF7, lr;
	s5 =	simm.s32 $0xFFFFFFFF;
	p2 =	slt.u32 s8, $0xFFFFF086  }
0x1c: {  	p1 =	slt.u32 s9, $0xF7A;
	s5 =	simm.s32 @!p2 $0x0  }
0x1d: {  	s5 =	simm.s32 @p1 $0x1;
	p0 =	seq.s32 s7, s2  }
0x1e: {  	s7 =	smul.u32 @!p0 $0xF7A, s2;
	p2 =	seq.s32 @!p0 s5, $0x0  }
0x1f: {  	s9 =	smul.u32 $0xF7A, s1;
	s8 =	simm.s32 @!p0 $0x1BF5;
	p2 =	por !p2, p0  }
0x20: {  	[sflag:s8] =	ssyncset.s32 @!p0 $0xFFFFF086;
	s6 =	sadd.s32 @!p0 s3, s7;
	s7 =	simm.s32 @!p0 $0x108  }
0x21: {  	s3 =	sadd.s32 s3, s9;
	s6 =	sadd.s32 @!p0 $0x88, s6;
	s7 =	simm.s32 @p2 $0x1082  }
0x22: {  	[simem:s7], [sflag:s8] =	dma.local @!p0 [hbm:s6], $0xF7A  }
0x23: {  	s9 =	sor.u32 $0xD0000000, s2;
	s6 =	simm.s32 $0x108;
	_ =	swait.ge @!p0 [sflag:s8], $0x0  }
0x24: {  	s3 =	sadd.s32 $0x88, s3;
	s6 =	simm.s32 @!p1 $0x1082;
	[sflag:s4] =	ssyncset.s32 $0xFFFFF086  }
0x25: {  	[simem:s6], [sflag:s4] =	dma.local [hbm:s3], $0xF7A  }
0x26: {  	[smem:$0x3F92] =	sst s1;
	(tag) =	ssettag s2;
	_ =	strace s9  }
0x27: {  	s1 =	sld [smem:$0x3FA2]  }
0x28: {  	s2 =	sld [smem:$0x3FA3]  }
0x29: {  	s4 =	sld [smem:$0x3FA5]  }
0x2a: {  	p0 =	seq.s32 s5, $0x0;
	s5 =	sld [smem:$0x3FA6]  }
0x2b: {  	s6 =	sld [smem:$0x3FA7]  }
0x2c: {  	s7 =	sld [smem:$0x3FA8]  }
0x2d: {  	s3 =	simm.s32 $0x108;
	s8 =	sld [smem:$0x3FA9]  }
0x2e: {  	s3 =	simm.s32 @!p0 $0x1082;
	s9 =	sld [smem:$0x3FAA]  }
0x2f: {  	lr =	sadd.s32 s0, s3;
	s0 =	sld [smem:$0x3FA1]  }
0x30: {  	s3 =	sld [smem:$0x3FA4]  }
0x31: {  	[smem:$0x3FAD] =	sst s10  }
0x32: {  	s10 =	sld [smem:$0x3FAB];
	_ =	sdelay $0x3  }
0x33: {  	p0 =	seq.s32 s10, $0x1;
	s10 =	sld [smem:$0x3FAD];
	_ =	sdelay $0x3  }
0x34: {  	[smem:$0x3FAD] =	sst s10  }
0x35: {  	s10 =	sld [smem:$0x3FAC];
	_ =	sdelay $0x3  }
0x36: {  	p1 =	seq.s32 s10, $0x1;
	s10 =	sld [smem:$0x3FAD];
	_ =	sdelay $0x3  }
0x37: {  	[smem:$0x3FAD] =	sst s10  }
0x38: {  	s10 =	sld [smem:$0x3FAE]  }
0x39: {  	_ = 	snop;
	(pc) =	sbr.ind lr, $3  }
0x3a: {  	_ = 	snop  }
0x3b: {  	_ = 	snop  }
0x3c: {  	p2 =	seq.s32 s10, $0x1;
	s10 =	sld [smem:$0x3FAD]  }
0x3d: {  	_ =	shalt  }
0x3e: {  	_ =	shalt  }
0x3f: {  	_ =	shalt  }
0x40: {  	_ =	shalt  }
0x41: {  	_ =	shalt  }
0x42: {  	_ =	shalt  }
0x43: {  	_ =	shalt  }
0x44: {  	_ =	shalt  }
0x45: {  	_ =	shalt  }
0x46: {  	_ =	shalt  }
0x47: {  	_ =	shalt  }
0x48: {  	_ =	shalt  }
0x49: {  	_ =	shalt  }
0x4a: {  	_ =	shalt  }
0x4b: {  	_ =	shalt  }
0x4c: {  	_ =	shalt  }
0x4d: {  	_ =	shalt  }
0x4e: {  	_ =	shalt  }
0x4f: {  	_ =	shalt  }
0x50: {  	_ =	shalt  }
0x51: {  	_ =	shalt  }
0x52: {  	_ =	shalt  }
0x53: {  	_ =	shalt  }
0x54: {  	_ =	shalt  }
0x55: {  	_ =	shalt  }
0x56: {  	_ =	shalt  }
0x57: {  	_ =	shalt  }
0x58: {  	_ =	shalt  }
0x59: {  	_ =	shalt  }
0x5a: {  	_ =	shalt  }
0x5b: {  	_ =	shalt  }
0x5c: {  	_ =	shalt  }
0x5d: {  	_ =	shalt  }
0x5e: {  	_ =	shalt  }
0x5f: {  	_ =	shalt  }
0x60: {  	_ =	shalt  }
0x61: {  	_ =	shalt  }
0x62: {  	_ =	shalt  }
0x63: {  	_ =	shalt  }
0x64: {  	_ =	shalt  }
0x65: {  	_ =	shalt  }
0x66: {  	_ =	shalt  }
0x67: {  	_ =	shalt  }
0x68: {  	_ =	shalt  }
0x69: {  	_ =	shalt  }
0x6a: {  	_ =	shalt  }
0x6b: {  	_ =	shalt  }
0x6c: {  	_ =	shalt  }
0x6d: {  	_ =	shalt  }
0x6e: {  	_ =	shalt  }
0x6f: {  	_ =	shalt  }
0x70: {  	_ =	shalt  }
0x71: {  	_ =	shalt  }
0x72: {  	_ =	shalt  }
0x73: {  	_ =	shalt  }
0x74: {  	_ =	shalt  }
0x75: {  	_ =	shalt  }
0x76: {  	_ =	shalt  }
0x77: {  	_ =	shalt  }
0x78: {  	_ =	shalt  }
0x79: {  	_ =	shalt  }
0x7a: {  	_ =	shalt  }
0x7b: {  	_ =	shalt  }
0x7c: {  	_ =	shalt  }
0x7d: {  	_ =	shalt  }
0x7e: {  	_ =	shalt  }
0x7f: {  	_ =	shalt  }
0x80: {  	_ =	shalt  }
0x81: {  	_ =	shalt  }
0x82: {  	_ =	shalt  }
0x83: {  	_ =	shalt  }
0x84: {  	_ =	shalt  }
0x85: {  	_ =	shalt  }
0x86: {  	_ =	shalt  }
0x87: {  	_ =	shalt  }
.Lfunc_end0:
.L_simem_size_0:
called_computation.2_lowered:
.L_overlay_start_0:
0x88: {  	s2 =	sld [smem:$0x3FD9]  }
0x89: {  	s3 =	sld [smem:$0x3FFE];
	_ =	sdelay $0x1  }
0x8a: {  	s1 =	srdreg.scid  }
0x8b: {  	s0 =	sand.u32 $0x1, s1  }
0x8c: {  	s17 =	sshll.u32 s0, $0xA;
	s2 =	sadd.s32 s3, s2  }
0x8d: {  	s2 =	sadd.s32 s2, s17  }
0x8e: {  	[smem:$0x3FB9] =	sst s2  }
0x8f: {  	_ = 	snop  }
0x90: {  	s2 =	sld [smem:$0x3FD0];
	(tm) =	ssettm $0x1  }
0x91: {  	s18 =	sld [smem:$0x3FFB];
	_ =	sdelay $0x3  }
0x92: {  	_ =	strace s18  }
0x93: {  	s3 =	sld [smem:$0x3FFC];
	_ =	sdelay $0x3  }
0x94: {  	_ =	strace s3  }
0x95: {  	s3 =	sld [smem:$0x3FFD];
	_ =	sdelay $0x3  }
0x96: {  	_ =	strace s3  }
0x97: {  	_ =	strace $0x8FFFFFFF  }
0x98: {  	s19 =	sld [smem:$0x3FDB];
	_ =	sdelay $0x1  }
0x99: {  	s4 =	simm.s32 $_scs_section_size  }
0x9a: {  	s5 =	simm.s32 $_size__tile_overlayer_lowered;
	s6 =	simm.s32 $_tile_overlayer_lowered  }
0x9b: {  	s22 =	simm.s32 $0x1BFF;
	s21 =	sshll.u32 s6, $0x1;
	s3 =	sadd.s32 s4, s19  }
0x9c: {  	s7 =	simm.s32 $0x0;
	s20 =	sshll.u32 s5, $0x1;
	s5 =	sadd.s32 s21, s3  }
0x9d: {  	[timem:s7], [sflag:s22] =	dma.local [hbm:s5], s20  }
0x9e: {  	_ =	swait.ge [sflag:s22], s20  }
0x9f: {  	s4 =	ssub.s32 $0x0, s20;
	[sflag:s22] =	ssyncset.done $0x0  }
0xa0: {  	[sflag:s22] =	ssyncadd.s32 s4;
	_ =	sdelay $0x1  }
0xa1: {  	s23 =	simm.s32 $0x1B8B  }
0xa2: {  	_ =	swait.ge [sflag:s23], $0x1  }
0xa3: {  	[sflag:s23] =	ssyncset.done $0x0  }
0xa4: {  	s25 =	simm.s32 $0x1B8E;
	s24 =	sld [smem:$0x3FFE];
	[sflag:s23] =	ssyncadd.s32 $0xFFFFFFFF  }
0xa5: {  	s26 =	simm.s32 $execute0_lowered;
	[smem:$0x3FD2] =	sst s25  }
0xa6: {  	s5 =	sshll.u32 s26, $0x1;
	_ =	strace $0x8000004C;
	[dreg:$0x1] =	wrdreg $0xFFFFFFFF  }
0xa7: {  	s28 =	simm.s32 $_size_execute0_lowered;
	s3 =	sadd.s32 s3, s5;
	[dreg:$0x0] =	wrdreg $0x0  }
0xa8: {  	s5 =	sshll.u32 s28, $0x1;
	[dreg:$0x2] =	wrdreg s3  }
0xa9: {  	[dreg:$0x3] =	wrdreg s5  }
0xaa: {  	[dreg:$0x4] =	wrdreg $0xC0  }
0xab: {  	_ =	task [dreg:s7], $0x5FFFF  }
0xac: {  	[dreg:$0x1] =	wrdreg $0xFFFFFFFF  }
0xad: {  	[dreg:$0x0] =	wrdreg $0x60  }
0xae: {  	[dreg:$0x2] =	wrdreg s24  }
0xaf: {  	[dreg:$0x3] =	wrdreg s2  }
0xb0: {  	[dreg:$0x4] =	wrdreg $0x41000  }
0xb1: {  	[dreg:$0x5] =	wrdreg $0x9  }
0xb2: {  	_ =	task.clear_ibuf [dreg:s7], $0x6FFFF;
	_ =	strace $0x9000004C  }
0xb3: {  	s29 =	simm.s32 $0x9;
	_ =	strace $0x8000004E  }
0xb4: {  	_ =	swait.ge [sflag:s29], $0x1  }
0xb5: {  	[sflag:s29] =	ssyncadd.s32 $0xFFFFFFFF  }
0xb6: {  	_ =	strace $0x9000004E  }
0xb7: {  	_ =	sfence  }
0xb8: {  	s30 =	sld [smem:$0x0];
	_ =	sdelay $0x2  }
0xb9: {  	s31 =	sshll.u32 s1, $0xD;
	s1 =	sshrl.u32 s1, $0x2  }
0xba: {  	s3 =	sand.u32 $0x4000, s31;
	s1 =	sadd.s32 s1, s30  }
0xbb: {  	s0 =	sor.u32 s3, s0;
	s1 =	sshll.u32 s1, $0x11  }
0xbc: {  	s0 =	sor.u32 s1, s0  }
0xbd: {  	s0 =	sadd.s32 $0x8F2B, s0  }
0xbe: {  	[sflag:s0] =	ssyncadd.remote.s32 $0x1  }
0xbf: {  	_ =	sfence.sel $0xFFFF  }
0xc0: {  	[dreg:$0x0] =	wrdreg $0xFFFFFFFF;
	(pc) =	sbr.abs _section_cstart, $3  }
0xc1: {  	[dreg:$0x1] =	wrdreg $0xFFFFFFFF  }
0xc2: {  	_ =	task.clear_ibuf [dreg:s7], $0x2FFFF;
	_ =	strace $0x9FFFFFFF  }
0xc3: {  	(tm) =	ssettm $0x7FFFFFFF  }
tec
execute0_lowered:
.L_overlay_start_1:
0x0: {  	(tag) =	ssettag $0x1  }
0x1: {  	s8 =	rddreg [dreg:$0x0]  }
0x2: {  	s1 =	rddreg [dreg:$0x1]  }
0x3: {  	s2 =	rddreg [dreg:$0x2]  }
0x4: {  	s0 =	rddreg [dreg:$0x3];
	s4 =	simm.s32 $0x0;
	s3 =	stileid.u32  }
0x5: {  	s9 =	srdreg.scid;
	s15 =	simm.s32 $0x2;
	s16 =	simm.s32 $0x80  }
0x6: {  	s17 =	simm.s32 $0x100;
	s18 =	simm.s32 $0x1;
	s19 =	simm.s32 $0x0  }
0x7: {  	[smem:$0x7FF] =	sst s4;
	s5 =	sadd.s32 $0x4AA00, s8;
	s7 =	smul.u32 $0xA00, s3  }
0x8: {  	s6 =	sadd.s32 $0x71C00, s8;
	s10 =	sand.u32 $0x1, s9;
	s30 =	smul.u32 $0x50000, s3  }
0x9: {  	s11 =	ssub.s32 $0x2, s10;
	p0 =	seq.s32 s10, $0x1;
	s10 =	smul.u32 $0x2800, s3  }
.Ltmp0:
0xa: {  	s31 =	sshll.u32 s3, $0x6;
	_ =	strace $0x8000004D;
	(pc) =	sbr.rel .LBB2_1-.Ltmp0, $4  }
0xb: {  	s13 =	sadd.s32 s7, s8;
	s7 =	sadd.s32 $0x98E00, s8;
	s12 =	sshrl.u32 s11, $0x1  }
0xc: {  	s8 =	sadd.s32 $0xC0E00, s8;
	s9 =	sshrl.u32 s30, $0x2;
	s11 =	ssub.s32 s11, s12  }
0xd: {  	s14 =	sadd.s32 s9, s2;
	s9 =	sor.u32 $0x1C02, s31;
	s12 =	sadd.s32 $0x18A00, s13  }
0xe: {  	s13 =	sadd.s32 $0xEA00, s13;
	s11 =	smax.u32 s11, $0x1;
	s14 =	sshrl.u32 s14, $0x3  }
.LBB2_7:
0xf: {  	s21 =	sadd.s32 s20, s13;
	[sflag:s15] =	ssyncadd.s32 $0xFFFFC000  }
0x10: {  	[tilespmem:s4], [sflag:$0x2] =	stream.linear.gather [hbm4b:s21+s4], $0x80, $0x38;
	[tilespmem:$0x18100] =	vst v63  }
0x11: {  	_ =	swait.ge [sflag:s15], $0x80  }
0x12: {  	[sflag:s15] =	ssyncset.done $0x0  }
0x13: {  	s31 =	sadd.s32 s20, s12;
	[sflag:s15] =	ssyncadd.s32 $0xFFFFFF80  }
0x14: {  	[tilespmem:s16], [sflag:$0x2] =	stream.linear.gather [hbm4b:s31+s4], $0x80, $0x38;
	[tilespmem:$0x18100] =	vst v63  }
0x15: {  	_ =	swait.ge [sflag:s15], $0x80  }
0x16: {  	[sflag:s15] =	ssyncset.done $0x0  }
0x17: {  	[sflag:s15] =	ssyncadd.s32 $0xFFFFFF80  }
0x18: {  	[tilespmem:s17], [sflag:$0x1] =	stream.indirect.gather [hbm4b:s6+s16], $0x80, s4, s16, $0xb8;
	[tilespmem:$0x18100] =	vst v63  }
0x19: {  	_ =	swait.ge [sflag:s18], $0x4000  }
0x1a: {  	[sflag:s18] =	ssyncset.done $0x0  }
0x1b: {  	[sflag:s18] =	ssyncadd.s32 $0xFFFFC000  }
0x1c: {  	[spmem:s2] =	stream.indirect.scatter.add.f32 [tilespmem:s17], [sflag:$0x2], $0x80, s16, s16, $0xb8;
	[tilespmem:$0x18100] =	vst v63  }
0x1d: {  	_ =	swait.ge [sflag:s15], $0x4000  }
0x1e: {  	[sflag:s15] =	ssyncset.done $0x0  }
0x1f: {  	s20 =	smov.u32 s8;
	[sflag:s15] =	ssyncadd.s32 $0xFFFFC000  }
.LBB2_8:
0x20: {  	s19 =	sadd.s32 $0x1, s19  }
0x21: {  	p1 =	sne.s32 s19, s11  }
.Ltmp1:
0x22: {  	s20 =	sadd.s32 s20, s10;
	[bflag:$0x0] =	sbarrier.arrive $0xFFFF;
	(pc) =	sbr.rel @!p1 .LBB2_9-.Ltmp1, $4  }
0x23: {  	[hbm:s20], [sflag:s9] =	dma.local [spmem:s14], $0x2800  }
0x24: {  	_ =	swait.ge [sflag:s15], $0x2800  }
0x25: {  	[sflag:s15] =	ssyncset.done $0x0  }
0x26: {  	[sflag:s15] =	ssyncadd.s32 $0xFFFFD800  }
.LBB2_1:
0x27: {  	[spmem:s14], [sflag:s9] =	dma.local [hbm:s1], $0x2800  }
.Ltmp2:
0x28: {  	_ =	swait.ge [sflag:s15], $0x2800;
	(pc) =	sbr.rel @!p0 .LBB2_2-.Ltmp2, $4  }
0x29: {  	[sflag:s15] =	ssyncset.done $0x0  }
0x2a: {  	[sflag:s15] =	ssyncadd.s32 $0xFFFFD800  }
0x2b: {  	[bflag:$0x0] =	sbarrier.arrive $0xFFFF  }
0x2c: {  	s20 =	sadd.s32 $0x0, s13  }
0x2d: {  	[tilespmem:s4], [sflag:$0x2] =	stream.linear.gather [hbm4b:s20+s4], $0x80, $0x38;
	[tilespmem:$0x18100] =	vst v63  }
0x2e: {  	_ =	swait.ge [sflag:s15], $0x80  }
0x2f: {  	[sflag:s15] =	ssyncset.done $0x0  }
0x30: {  	s31 =	sadd.s32 $0x0, s12;
	[sflag:s15] =	ssyncadd.s32 $0xFFFFFF80  }
0x31: {  	[tilespmem:s16], [sflag:$0x2] =	stream.linear.gather [hbm4b:s31+s4], $0x80, $0x38;
	[tilespmem:$0x18100] =	vst v63  }
0x32: {  	_ =	swait.ge [sflag:s15], $0x80  }
0x33: {  	[sflag:s15] =	ssyncset.done $0x0  }
0x34: {  	[sflag:s15] =	ssyncadd.s32 $0xFFFFFF80  }
0x35: {  	[tilespmem:s17], [sflag:$0x1] =	stream.indirect.gather [hbm4b:s6+s16], $0x80, s4, s16, $0xb8;
	[tilespmem:$0x18100] =	vst v63  }
0x36: {  	_ =	swait.ge [sflag:s18], $0x4000  }
0x37: {  	[sflag:s18] =	ssyncset.done $0x0  }
0x38: {  	[sflag:s18] =	ssyncadd.s32 $0xFFFFC000  }
0x39: {  	[spmem:s2] =	stream.indirect.scatter.add.f32 [tilespmem:s17], [sflag:$0x2], $0x80, s16, s16, $0xb8;
	[tilespmem:$0x18100] =	vst v63  }
0x3a: {  	_ =	swait.ge [sflag:s15], $0x4000  }
0x3b: {  	s20 =	simm.s32 $0x10;
	s21 =	simm.s32 $0x20;
	[sflag:s15] =	ssyncset.done $0x0  }
.LBB2_6:
0x3c: {  	s22 =	sadd.s32 s20, s13  }
0x3d: {  	[sflag:s15] =	ssyncadd.s32 $0xFFFFC000;
	s23 =	smov.u32 s21;
	s24 =	sadd.s32 $0x10, s21  }
0x3e: {  	[tilespmem:s4], [sflag:$0x2] =	stream.linear.gather [hbm4b:s22+s4], $0x80, $0x38;
	[tilespmem:$0x18100] =	vst v63  }
0x3f: {  	p1 =	sne.s32 s21, $0x9F0;
	_ =	swait.ge [sflag:s15], $0x80  }
0x40: {  	[sflag:s15] =	ssyncset.done $0x0  }
0x41: {  	s21 =	sadd.s32 s20, s12;
	s20 =	smov.u32 s23;
	[sflag:s15] =	ssyncadd.s32 $0xFFFFFF80  }
0x42: {  	[tilespmem:s16], [sflag:$0x2] =	stream.linear.gather [hbm4b:s21+s4], $0x80, $0x38;
	[tilespmem:$0x18100] =	vst v63  }
0x43: {  	_ =	swait.ge [sflag:s15], $0x80  }
0x44: {  	[sflag:s15] =	ssyncset.done $0x0  }
0x45: {  	[sflag:s15] =	ssyncadd.s32 $0xFFFFFF80  }
0x46: {  	[tilespmem:s17], [sflag:$0x1] =	stream.indirect.gather [hbm4b:s6+s16], $0x80, s4, s16, $0xb8;
	[tilespmem:$0x18100] =	vst v63  }
0x47: {  	_ =	swait.ge [sflag:s18], $0x4000  }
.Ltmp3:
0x48: {  	[sflag:s18] =	ssyncset.done $0x0;
	(pc) =	sbr.rel @p1 .LBB2_6-.Ltmp3, $4  }
0x49: {  	[sflag:s18] =	ssyncadd.s32 $0xFFFFC000  }
0x4a: {  	[spmem:s2] =	stream.indirect.scatter.add.f32 [tilespmem:s17], [sflag:$0x2], $0x80, s16, s16, $0xb8;
	[tilespmem:$0x18100] =	vst v63  }
0x4b: {  	_ =	swait.ge [sflag:s15], $0x4000  }
0x4c: {  	s21 =	smov.u32 s24;
	[sflag:s15] =	ssyncset.done $0x0  }
.Ltmp4:
0x4d: {  	_ = 	snop;
	(pc) =	sbr.rel .LBB2_7-.Ltmp4, $1  }
0x4e: {  	_ =	sdelay $0x3  }
.LBB2_2:
0x4f: {  	[tilespmem:s4], [sflag:$0x2] =	stream.linear.gather [hbm4b:s20+s4], $0x80, $0x38;
	[tilespmem:$0x18100] =	vst v63  }
0x50: {  	_ =	swait.ge [sflag:s15], $0x80  }
0x51: {  	[sflag:s15] =	ssyncset.done $0x0  }
0x52: {  	s31 =	sadd.s32 $0x0, s12;
	[sflag:s15] =	ssyncadd.s32 $0xFFFFFF80  }
0x53: {  	[tilespmem:s16], [sflag:$0x2] =	stream.linear.gather [hbm4b:s31+s4], $0x80, $0x38;
	[tilespmem:$0x18100] =	vst v63  }
0x54: {  	_ =	swait.ge [sflag:s15], $0x80  }
0x55: {  	[sflag:s15] =	ssyncset.done $0x0  }
0x56: {  	[sflag:s15] =	ssyncadd.s32 $0xFFFFFF80  }
0x57: {  	[tilespmem:s17], [sflag:$0x1] =	stream.indirect.gather [hbm4b:s5+s16], $0x80, s4, s16, $0xb8;
	[tilespmem:$0x18100] =	vst v63  }
0x58: {  	_ =	swait.ge [sflag:s18], $0x4000  }
0x59: {  	[sflag:s18] =	ssyncset.done $0x0  }
0x5a: {  	[sflag:s18] =	ssyncadd.s32 $0xFFFFC000  }
0x5b: {  	[spmem:s2] =	stream.indirect.scatter.add.f32 [tilespmem:s17], [sflag:$0x2], $0x80, s16, s16, $0xb8;
	[tilespmem:$0x18100] =	vst v63  }
0x5c: {  	_ =	swait.ge [sflag:s15], $0x4000  }
0x5d: {  	s20 =	simm.s32 $0x10;
	s21 =	simm.s32 $0x20;
	[sflag:s15] =	ssyncset.done $0x0  }
.LBB2_3:
0x5e: {  	s22 =	sadd.s32 s20, s13  }
0x5f: {  	[sflag:s15] =	ssyncadd.s32 $0xFFFFC000;
	s23 =	smov.u32 s21;
	s24 =	sadd.s32 $0x10, s21  }
0x60: {  	[tilespmem:s4], [sflag:$0x2] =	stream.linear.gather [hbm4b:s22+s4], $0x80, $0x38;
	[tilespmem:$0x18100] =	vst v63  }
0x61: {  	p1 =	seq.s32 s21, $0x9F0;
	_ =	swait.ge [sflag:s15], $0x80  }
0x62: {  	[sflag:s15] =	ssyncset.done $0x0  }
0x63: {  	s21 =	sadd.s32 s20, s12;
	s20 =	smov.u32 s23;
	[sflag:s15] =	ssyncadd.s32 $0xFFFFFF80  }
0x64: {  	[tilespmem:s16], [sflag:$0x2] =	stream.linear.gather [hbm4b:s21+s4], $0x80, $0x38;
	[tilespmem:$0x18100] =	vst v63  }
0x65: {  	_ =	swait.ge [sflag:s15], $0x80  }
0x66: {  	[sflag:s15] =	ssyncset.done $0x0  }
0x67: {  	[sflag:s15] =	ssyncadd.s32 $0xFFFFFF80  }
0x68: {  	[tilespmem:s17], [sflag:$0x1] =	stream.indirect.gather [hbm4b:s5+s16], $0x80, s4, s16, $0xb8;
	[tilespmem:$0x18100] =	vst v63  }
0x69: {  	_ =	swait.ge [sflag:s18], $0x4000  }
.Ltmp5:
0x6a: {  	[sflag:s18] =	ssyncset.done $0x0;
	(pc) =	sbr.rel @!p1 .LBB2_3-.Ltmp5, $4  }
0x6b: {  	[sflag:s18] =	ssyncadd.s32 $0xFFFFC000  }
0x6c: {  	[spmem:s2] =	stream.indirect.scatter.add.f32 [tilespmem:s17], [sflag:$0x2], $0x80, s16, s16, $0xb8;
	[tilespmem:$0x18100] =	vst v63  }
0x6d: {  	_ =	swait.ge [sflag:s15], $0x4000  }
0x6e: {  	s21 =	smov.u32 s24;
	[sflag:s15] =	ssyncset.done $0x0  }
0x6f: {  	s21 =	sadd.s32 s20, s13;
	[sflag:s15] =	ssyncadd.s32 $0xFFFFC000  }
0x70: {  	[tilespmem:s4], [sflag:$0x2] =	stream.linear.gather [hbm4b:s21+s4], $0x80, $0x38;
	[tilespmem:$0x18100] =	vst v63  }
0x71: {  	_ =	swait.ge [sflag:s15], $0x80  }
0x72: {  	[sflag:s15] =	ssyncset.done $0x0  }
0x73: {  	s31 =	sadd.s32 s20, s12;
	[sflag:s15] =	ssyncadd.s32 $0xFFFFFF80  }
0x74: {  	[tilespmem:s16], [sflag:$0x2] =	stream.linear.gather [hbm4b:s31+s4], $0x80, $0x38;
	[tilespmem:$0x18100] =	vst v63  }
0x75: {  	_ =	swait.ge [sflag:s15], $0x80  }
0x76: {  	[sflag:s15] =	ssyncset.done $0x0  }
0x77: {  	[sflag:s15] =	ssyncadd.s32 $0xFFFFFF80  }
0x78: {  	[tilespmem:s17], [sflag:$0x1] =	stream.indirect.gather [hbm4b:s5+s16], $0x80, s4, s16, $0xb8;
	[tilespmem:$0x18100] =	vst v63  }
0x79: {  	_ =	swait.ge [sflag:s18], $0x4000  }
0x7a: {  	[sflag:s18] =	ssyncset.done $0x0  }
.Ltmp6:
0x7b: {  	[sflag:s18] =	ssyncadd.s32 $0xFFFFC000;
	(pc) =	sbr.rel .LBB2_8-.Ltmp6, $4  }
0x7c: {  	[spmem:s2] =	stream.indirect.scatter.add.f32 [tilespmem:s17], [sflag:$0x2], $0x80, s16, s16, $0xb8;
	[tilespmem:$0x18100] =	vst v63  }
0x7d: {  	_ =	swait.ge [sflag:s15], $0x4000  }
0x7e: {  	[sflag:s15] =	ssyncset.done $0x0  }
0x7f: {  	s20 =	smov.u32 s7;
	[sflag:s15] =	ssyncadd.s32 $0xFFFFC000  }
.LBB2_9:
0x80: {  	_ =	sfence.sel $0x180000  }
0x81: {  	[bflag:$0x0] =	sbarrier.arrive $0xFFFF  }
0x82: {  	p0 =	sne.s32 s3, $0x0;
	_ =	strace $0x9000004D  }
0x83: {  	s0 =	sadd.s32 @!p0 $0x100000, s0;
	[bflag:$0x2] =	sbarrier.arrive $0xFFFF  }
0x84: {  	[sflag:s0] =	ssyncadd.tile.s32 @!p0 $0x1;
	_ =	shalt  }
.Lfunc_end2:
_tile_overlayer_lowered:
.L_overlay_start_2:
0x85: {  	(tag) =	ssettag $0x2  }
0x86: {  	s0 =	rddreg [dreg:$0x0];
	s2 =	stileid.u32  }
0x87: {  	s1 =	rddreg [dreg:$0x1];
	p0 =	sne.s32 s2, $0x0  }
0x88: {  	s3 =	rddreg [dreg:$0x2];
	[bflag:$0x3] =	sbarrier.arrive $0xFFFF;
	s2 =	simm.s32 @!p0 $0x1C02  }
0x89: {  	[timem:s3], [sflag:s2] =	dma.local @!p0 [hbm:s0], s1  }
0x8a: {  	s0 =	simm.s32 @!p0 $0x2  }
0x8b: {  	_ =	swait.ge @!p0 [sflag:s0], s1  }
0x8c: {  	s1 =	ssub.s32 @!p0 $0x0, s1;
	[sflag:s0] =	ssyncset.done @!p0 $0x0  }
0x8d: {  	[sflag:s0] =	ssyncadd.s32 @!p0 s1  }
0x8e: {  	[bflag:$0x3] =	sbarrier.arrive $0xFFFF  }
0x8f: {  	_ =	shalt  }

// kernel: kernel.23.cloned.1.call-start
scs
__scs_entry_jumppad:
0x0: {  	(pc) =	sbr.rel $0x88, $3  }
0x1: {  	(tag) =	ssettag $0x0;
	lr =	simm.s32 $0x1  }
0x2: {  	[smem:$0x3F92] =	sst lr;
	_ =	strace $0xD0000000  }
0x3: {  	_ = 	snop  }
0x4: {  	_ = 	snop  }
0x5: {  	_ = 	snop  }
0x6: {  	_ = 	snop  }
0x7: {  	_ = 	snop  }
__scs_overlays_trampoline_lowered:
0x8: {  	[smem:$0x3FA1] =	sst s0  }
0x9: {  	[smem:$0x3FA2] =	sst s1  }
0xa: {  	[smem:$0x3FA3] =	sst s2  }
0xb: {  	[smem:$0x3FA4] =	sst s3  }
0xc: {  	[smem:$0x3FA5] =	sst s4  }
0xd: {  	[smem:$0x3FA6] =	sst s5  }
0xe: {  	[smem:$0x3FA7] =	sst s6  }
0xf: {  	[smem:$0x3FA8] =	sst s7  }
0x10: {  	[smem:$0x3FA9] =	sst s8  }
0x11: {  	[smem:$0x3FAA] =	sst s9;
	s0 =	simm.s32 @!p0 $0x0  }
0x12: {  	s1 =	sld [smem:$0x3F90];
	s0 =	simm.s32 @p0 $0x1  }
0x13: {  	[smem:$0x3FAB] =	sst s0;
	s0 =	simm.s32 @!p1 $0x0  }
0x14: {  	s2 =	sld [smem:$0x3F8F];
	s0 =	simm.s32 @p1 $0x1  }
0x15: {  	[smem:$0x3FAC] =	sst s0;
	s0 =	simm.s32 @!p2 $0x0  }
0x16: {  	s3 =	sld [smem:$0x3FDB];
	s0 =	simm.s32 @p2 $0x1  }
0x17: {  	s4 =	simm.s32 $0x1BF5;
	[smem:$0x3FAE] =	sst s0  }
0x18: {  	s0 =	sld [smem:$0x3F91];
	_ =	swait.ge [sflag:s4], $0x0  }
0x19: {  	s7 =	sld [smem:$0x3F92]  }
0x1a: {  	s8 =	sadd.s32 $0xFFFFE003, lr  }
0x1b: {  	s9 =	sadd.s32 $0xFFFFFEF7, lr;
	s5 =	simm.s32 $0xFFFFFFFF;
	p2 =	slt.u32 s8, $0xFFFFF086  }
0x1c: {  	p1 =	slt.u32 s9, $0xF7A;
	s5 =	simm.s32 @!p2 $0x0  }
0x1d: {  	s5 =	simm.s32 @p1 $0x1;
	p0 =	seq.s32 s7, s2  }
0x1e: {  	s7 =	smul.u32 @!p0 $0xF7A, s2;
	p2 =	seq.s32 @!p0 s5, $0x0  }
0x1f: {  	s9 =	smul.u32 $0xF7A, s1;
	s8 =	simm.s32 @!p0 $0x1BF5;
	p2 =	por !p2, p0  }
0x20: {  	[sflag:s8] =	ssyncset.s32 @!p0 $0xFFFFF086;
	s6 =	sadd.s32 @!p0 s3, s7;
	s7 =	simm.s32 @!p0 $0x108  }
0x21: {  	s3 =	sadd.s32 s3, s9;
	s6 =	sadd.s32 @!p0 $0x88, s6;
	s7 =	simm.s32 @p2 $0x1082  }
0x22: {  	[simem:s7], [sflag:s8] =	dma.local @!p0 [hbm:s6], $0xF7A  }
0x23: {  	s9 =	sor.u32 $0xD0000000, s2;
	s6 =	simm.s32 $0x108;
	_ =	swait.ge @!p0 [sflag:s8], $0x0  }
0x24: {  	s3 =	sadd.s32 $0x88, s3;
	s6 =	simm.s32 @!p1 $0x1082;
	[sflag:s4] =	ssyncset.s32 $0xFFFFF086  }
0x25: {  	[simem:s6], [sflag:s4] =	dma.local [hbm:s3], $0xF7A  }
0x26: {  	[smem:$0x3F92] =	sst s1;
	(tag) =	ssettag s2;
	_ =	strace s9  }
0x27: {  	s1 =	sld [smem:$0x3FA2]  }
0x28: {  	s2 =	sld [smem:$0x3FA3]  }
0x29: {  	s4 =	sld [smem:$0x3FA5]  }
0x2a: {  	p0 =	seq.s32 s5, $0x0;
	s5 =	sld [smem:$0x3FA6]  }
0x2b: {  	s6 =	sld [smem:$0x3FA7]  }
0x2c: {  	s7 =	sld [smem:$0x3FA8]  }
0x2d: {  	s3 =	simm.s32 $0x108;
	s8 =	sld [smem:$0x3FA9]  }
0x2e: {  	s3 =	simm.s32 @!p0 $0x1082;
	s9 =	sld [smem:$0x3FAA]  }
0x2f: {  	lr =	sadd.s32 s0, s3;
	s0 =	sld [smem:$0x3FA1]  }
0x30: {  	s3 =	sld [smem:$0x3FA4]  }
0x31: {  	[smem:$0x3FAD] =	sst s10  }
0x32: {  	s10 =	sld [smem:$0x3FAB];
	_ =	sdelay $0x3  }
0x33: {  	p0 =	seq.s32 s10, $0x1;
	s10 =	sld [smem:$0x3FAD];
	_ =	sdelay $0x3  }
0x34: {  	[smem:$0x3FAD] =	sst s10  }
0x35: {  	s10 =	sld [smem:$0x3FAC];
	_ =	sdelay $0x3  }
0x36: {  	p1 =	seq.s32 s10, $0x1;
	s10 =	sld [smem:$0x3FAD];
	_ =	sdelay $0x3  }
0x37: {  	[smem:$0x3FAD] =	sst s10  }
0x38: {  	s10 =	sld [smem:$0x3FAE]  }
0x39: {  	_ = 	snop;
	(pc) =	sbr.ind lr, $3  }
0x3a: {  	_ = 	snop  }
0x3b: {  	_ = 	snop  }
0x3c: {  	p2 =	seq.s32 s10, $0x1;
	s10 =	sld [smem:$0x3FAD]  }
0x3d: {  	_ =	shalt  }
0x3e: {  	_ =	shalt  }
0x3f: {  	_ =	shalt  }
0x40: {  	_ =	shalt  }
0x41: {  	_ =	shalt  }
0x42: {  	_ =	shalt  }
0x43: {  	_ =	shalt  }
0x44: {  	_ =	shalt  }
0x45: {  	_ =	shalt  }
0x46: {  	_ =	shalt  }
0x47: {  	_ =	shalt  }
0x48: {  	_ =	shalt  }
0x49: {  	_ =	shalt  }
0x4a: {  	_ =	shalt  }
0x4b: {  	_ =	shalt  }
0x4c: {  	_ =	shalt  }
0x4d: {  	_ =	shalt  }
0x4e: {  	_ =	shalt  }
0x4f: {  	_ =	shalt  }
0x50: {  	_ =	shalt  }
0x51: {  	_ =	shalt  }
0x52: {  	_ =	shalt  }
0x53: {  	_ =	shalt  }
0x54: {  	_ =	shalt  }
0x55: {  	_ =	shalt  }
0x56: {  	_ =	shalt  }
0x57: {  	_ =	shalt  }
0x58: {  	_ =	shalt  }
0x59: {  	_ =	shalt  }
0x5a: {  	_ =	shalt  }
0x5b: {  	_ =	shalt  }
0x5c: {  	_ =	shalt  }
0x5d: {  	_ =	shalt  }
0x5e: {  	_ =	shalt  }
0x5f: {  	_ =	shalt  }
0x60: {  	_ =	shalt  }
0x61: {  	_ =	shalt  }
0x62: {  	_ =	shalt  }
0x63: {  	_ =	shalt  }
0x64: {  	_ =	shalt  }
0x65: {  	_ =	shalt  }
0x66: {  	_ =	shalt  }
0x67: {  	_ =	shalt  }
0x68: {  	_ =	shalt  }
0x69: {  	_ =	shalt  }
0x6a: {  	_ =	shalt  }
0x6b: {  	_ =	shalt  }
0x6c: {  	_ =	shalt  }
0x6d: {  	_ =	shalt  }
0x6e: {  	_ =	shalt  }
0x6f: {  	_ =	shalt  }
0x70: {  	_ =	shalt  }
0x71: {  	_ =	shalt  }
0x72: {  	_ =	shalt  }
0x73: {  	_ =	shalt  }
0x74: {  	_ =	shalt  }
0x75: {  	_ =	shalt  }
0x76: {  	_ =	shalt  }
0x77: {  	_ =	shalt  }
0x78: {  	_ =	shalt  }
0x79: {  	_ =	shalt  }
0x7a: {  	_ =	shalt  }
0x7b: {  	_ =	shalt  }
0x7c: {  	_ =	shalt  }
0x7d: {  	_ =	shalt  }
0x7e: {  	_ =	shalt  }
0x7f: {  	_ =	shalt  }
0x80: {  	_ =	shalt  }
0x81: {  	_ =	shalt  }
0x82: {  	_ =	shalt  }
0x83: {  	_ =	shalt  }
0x84: {  	_ =	shalt  }
0x85: {  	_ =	shalt  }
0x86: {  	_ =	shalt  }
0x87: {  	_ =	shalt  }
.Lfunc_end0:
.L_simem_size_0:
called_computation.3_lowered:
.L_overlay_start_0:
0x88: {  	s2 =	sld [smem:$0x3FD9]  }
0x89: {  	s3 =	sld [smem:$0x3FFE];
	_ =	sdelay $0x1  }
0x8a: {  	s1 =	srdreg.scid  }
0x8b: {  	s0 =	sand.u32 $0x1, s1  }
0x8c: {  	s17 =	sshll.u32 s0, $0xA;
	s2 =	sadd.s32 s3, s2  }
0x8d: {  	s2 =	sadd.s32 s2, s17  }
0x8e: {  	[smem:$0x3FB9] =	sst s2  }
0x8f: {  	_ = 	snop  }
0x90: {  	s2 =	sld [smem:$0x3FD0];
	(tm) =	ssettm $0x1  }
0x91: {  	s18 =	sld [smem:$0x3FFB];
	_ =	sdelay $0x3  }
0x92: {  	_ =	strace s18  }
0x93: {  	s3 =	sld [smem:$0x3FFC];
	_ =	sdelay $0x3  }
0x94: {  	_ =	strace s3  }
0x95: {  	s3 =	sld [smem:$0x3FFD];
	_ =	sdelay $0x3  }
0x96: {  	_ =	strace s3  }
0x97: {  	_ =	strace $0x8FFFFFFF  }
0x98: {  	s19 =	sld [smem:$0x3FDB];
	_ =	sdelay $0x1  }
0x99: {  	s4 =	simm.s32 $_scs_section_size  }
0x9a: {  	s5 =	simm.s32 $_size__tile_overlayer_lowered;
	s6 =	simm.s32 $_tile_overlayer_lowered  }
0x9b: {  	s22 =	simm.s32 $0x1BFF;
	s21 =	sshll.u32 s6, $0x1;
	s3 =	sadd.s32 s4, s19  }
0x9c: {  	s7 =	simm.s32 $0x0;
	s20 =	sshll.u32 s5, $0x1;
	s5 =	sadd.s32 s21, s3  }
0x9d: {  	[timem:s7], [sflag:s22] =	dma.local [hbm:s5], s20  }
0x9e: {  	_ =	swait.ge [sflag:s22], s20  }
0x9f: {  	s4 =	ssub.s32 $0x0, s20;
	[sflag:s22] =	ssyncset.done $0x0  }
0xa0: {  	[sflag:s22] =	ssyncadd.s32 s4;
	_ =	sdelay $0x1  }
0xa1: {  	s23 =	simm.s32 $0x1B8B  }
0xa2: {  	_ =	swait.ge [sflag:s23], $0x1  }
0xa3: {  	[sflag:s23] =	ssyncset.done $0x0  }
0xa4: {  	s25 =	simm.s32 $0x1B8E;
	s24 =	sld [smem:$0x3FFE];
	[sflag:s23] =	ssyncadd.s32 $0xFFFFFFFF  }
0xa5: {  	s26 =	simm.s32 $execute0_lowered;
	[smem:$0x3FD2] =	sst s25  }
0xa6: {  	s5 =	sshll.u32 s26, $0x1;
	_ =	strace $0x8000004F;
	[dreg:$0x1] =	wrdreg $0xFFFFFFFF  }
0xa7: {  	s28 =	simm.s32 $_size_execute0_lowered;
	s3 =	sadd.s32 s3, s5;
	[dreg:$0x0] =	wrdreg $0x0  }
0xa8: {  	s5 =	sshll.u32 s28, $0x1;
	[dreg:$0x2] =	wrdreg s3  }
0xa9: {  	[dreg:$0x3] =	wrdreg s5  }
0xaa: {  	[dreg:$0x4] =	wrdreg $0xC0  }
0xab: {  	_ =	task [dreg:s7], $0x5FFFF  }
0xac: {  	[dreg:$0x1] =	wrdreg $0xFFFFFFFF  }
0xad: {  	[dreg:$0x0] =	wrdreg $0x60  }
0xae: {  	[dreg:$0x2] =	wrdreg s24  }
0xaf: {  	[dreg:$0x3] =	wrdreg s2  }
0xb0: {  	[dreg:$0x4] =	wrdreg $0x41000  }
0xb1: {  	[dreg:$0x5] =	wrdreg $0x9  }
0xb2: {  	_ =	task.clear_ibuf [dreg:s7], $0x6FFFF;
	_ =	strace $0x9000004F  }
0xb3: {  	s29 =	simm.s32 $0x9;
	_ =	strace $0x80000051  }
0xb4: {  	_ =	swait.ge [sflag:s29], $0x1  }
0xb5: {  	[sflag:s29] =	ssyncadd.s32 $0xFFFFFFFF  }
0xb6: {  	_ =	strace $0x90000051  }
0xb7: {  	_ =	sfence  }
0xb8: {  	s30 =	sld [smem:$0x0];
	_ =	sdelay $0x2  }
0xb9: {  	s31 =	sshll.u32 s1, $0xD;
	s1 =	sshrl.u32 s1, $0x2  }
0xba: {  	s3 =	sand.u32 $0x4000, s31;
	s1 =	sadd.s32 s1, s30  }
0xbb: {  	s0 =	sor.u32 s3, s0;
	s1 =	sshll.u32 s1, $0x11  }
0xbc: {  	s0 =	sor.u32 s1, s0  }
0xbd: {  	s0 =	sadd.s32 $0x8F2B, s0  }
0xbe: {  	[sflag:s0] =	ssyncadd.remote.s32 $0x1  }
0xbf: {  	_ =	sfence.sel $0xFFFF  }
0xc0: {  	[dreg:$0x0] =	wrdreg $0xFFFFFFFF;
	(pc) =	sbr.abs _section_cstart, $3  }
0xc1: {  	[dreg:$0x1] =	wrdreg $0xFFFFFFFF  }
0xc2: {  	_ =	task.clear_ibuf [dreg:s7], $0x2FFFF;
	_ =	strace $0x9FFFFFFF  }
0xc3: {  	(tm) =	ssettm $0x7FFFFFFF  }
tec
execute0_lowered:
.L_overlay_start_1:
0x0: {  	(tag) =	ssettag $0x1  }
0x1: {  	s8 =	rddreg [dreg:$0x0]  }
0x2: {  	s1 =	rddreg [dreg:$0x1]  }
0x3: {  	s2 =	rddreg [dreg:$0x2]  }
0x4: {  	s0 =	rddreg [dreg:$0x3];
	s4 =	simm.s32 $0x0;
	s3 =	stileid.u32  }
0x5: {  	s9 =	srdreg.scid;
	s15 =	simm.s32 $0x2;
	s16 =	simm.s32 $0x80  }
0x6: {  	s17 =	simm.s32 $0x100;
	s18 =	simm.s32 $0x1;
	s19 =	simm.s32 $0x0  }
0x7: {  	[smem:$0x7FF] =	sst s4;
	s5 =	sadd.s32 $0x4AA00, s8;
	s7 =	smul.u32 $0xA00, s3  }
0x8: {  	s6 =	sadd.s32 $0x71C00, s8;
	s10 =	sand.u32 $0x1, s9;
	s30 =	smul.u32 $0x50000, s3  }
0x9: {  	s11 =	ssub.s32 $0x2, s10;
	p0 =	seq.s32 s10, $0x1;
	s10 =	smul.u32 $0x2800, s3  }
.Ltmp0:
0xa: {  	s31 =	sshll.u32 s3, $0x6;
	_ =	strace $0x80000050;
	(pc) =	sbr.rel .LBB2_1-.Ltmp0, $4  }
0xb: {  	s13 =	sadd.s32 s7, s8;
	s7 =	sadd.s32 $0x98E00, s8;
	s12 =	sshrl.u32 s11, $0x1  }
0xc: {  	s8 =	sadd.s32 $0xC0E00, s8;
	s9 =	sshrl.u32 s30, $0x2;
	s11 =	ssub.s32 s11, s12  }
0xd: {  	s14 =	sadd.s32 s9, s2;
	s9 =	sor.u32 $0x1C02, s31;
	s12 =	sadd.s32 $0x18A00, s13  }
0xe: {  	s13 =	sadd.s32 $0xEA00, s13;
	s11 =	smax.u32 s11, $0x1;
	s14 =	sshrl.u32 s14, $0x3  }
.LBB2_7:
0xf: {  	s21 =	sadd.s32 s20, s13;
	[sflag:s15] =	ssyncadd.s32 $0xFFFFC000  }
0x10: {  	[tilespmem:s4], [sflag:$0x2] =	stream.linear.gather [hbm4b:s21+s4], $0x80, $0x38;
	[tilespmem:$0x18100] =	vst v63  }
0x11: {  	_ =	swait.ge [sflag:s15], $0x80  }
0x12: {  	[sflag:s15] =	ssyncset.done $0x0  }
0x13: {  	s31 =	sadd.s32 s20, s12;
	[sflag:s15] =	ssyncadd.s32 $0xFFFFFF80  }
0x14: {  	[tilespmem:s16], [sflag:$0x2] =	stream.linear.gather [hbm4b:s31+s4], $0x80, $0x38;
	[tilespmem:$0x18100] =	vst v63  }
0x15: {  	_ =	swait.ge [sflag:s15], $0x80  }
0x16: {  	[sflag:s15] =	ssyncset.done $0x0  }
0x17: {  	[sflag:s15] =	ssyncadd.s32 $0xFFFFFF80  }
0x18: {  	[tilespmem:s17], [sflag:$0x1] =	stream.indirect.gather [hbm4b:s6+s16], $0x80, s4, s16, $0xb8;
	[tilespmem:$0x18100] =	vst v63  }
0x19: {  	_ =	swait.ge [sflag:s18], $0x4000  }
0x1a: {  	[sflag:s18] =	ssyncset.done $0x0  }
0x1b: {  	[sflag:s18] =	ssyncadd.s32 $0xFFFFC000  }
0x1c: {  	[spmem:s2] =	stream.indirect.scatter.add.f32 [tilespmem:s17], [sflag:$0x2], $0x80, s16, s16, $0xb8;
	[tilespmem:$0x18100] =	vst v63  }
0x1d: {  	_ =	swait.ge [sflag:s15], $0x4000  }
0x1e: {  	[sflag:s15] =	ssyncset.done $0x0  }
0x1f: {  	s20 =	smov.u32 s8;
	[sflag:s15] =	ssyncadd.s32 $0xFFFFC000  }
.LBB2_8:
0x20: {  	s19 =	sadd.s32 $0x1, s19  }
0x21: {  	p1 =	sne.s32 s19, s11  }
.Ltmp1:
0x22: {  	s20 =	sadd.s32 s20, s10;
	[bflag:$0x0] =	sbarrier.arrive $0xFFFF;
	(pc) =	sbr.rel @!p1 .LBB2_9-.Ltmp1, $4  }
0x23: {  	[hbm:s20], [sflag:s9] =	dma.local [spmem:s14], $0x2800  }
0x24: {  	_ =	swait.ge [sflag:s15], $0x2800  }
0x25: {  	[sflag:s15] =	ssyncset.done $0x0  }
0x26: {  	[sflag:s15] =	ssyncadd.s32 $0xFFFFD800  }
.LBB2_1:
0x27: {  	[spmem:s14], [sflag:s9] =	dma.local [hbm:s1], $0x2800  }
.Ltmp2:
0x28: {  	_ =	swait.ge [sflag:s15], $0x2800;
	(pc) =	sbr.rel @!p0 .LBB2_2-.Ltmp2, $4  }
0x29: {  	[sflag:s15] =	ssyncset.done $0x0  }
0x2a: {  	[sflag:s15] =	ssyncadd.s32 $0xFFFFD800  }
0x2b: {  	[bflag:$0x0] =	sbarrier.arrive $0xFFFF  }
0x2c: {  	s20 =	sadd.s32 $0x0, s13  }
0x2d: {  	[tilespmem:s4], [sflag:$0x2] =	stream.linear.gather [hbm4b:s20+s4], $0x80, $0x38;
	[tilespmem:$0x18100] =	vst v63  }
0x2e: {  	_ =	swait.ge [sflag:s15], $0x80  }
0x2f: {  	[sflag:s15] =	ssyncset.done $0x0  }
0x30: {  	s31 =	sadd.s32 $0x0, s12;
	[sflag:s15] =	ssyncadd.s32 $0xFFFFFF80  }
0x31: {  	[tilespmem:s16], [sflag:$0x2] =	stream.linear.gather [hbm4b:s31+s4], $0x80, $0x38;
	[tilespmem:$0x18100] =	vst v63  }
0x32: {  	_ =	swait.ge [sflag:s15], $0x80  }
0x33: {  	[sflag:s15] =	ssyncset.done $0x0  }
0x34: {  	[sflag:s15] =	ssyncadd.s32 $0xFFFFFF80  }
0x35: {  	[tilespmem:s17], [sflag:$0x1] =	stream.indirect.gather [hbm4b:s6+s16], $0x80, s4, s16, $0xb8;
	[tilespmem:$0x18100] =	vst v63  }
0x36: {  	_ =	swait.ge [sflag:s18], $0x4000  }
0x37: {  	[sflag:s18] =	ssyncset.done $0x0  }
0x38: {  	[sflag:s18] =	ssyncadd.s32 $0xFFFFC000  }
0x39: {  	[spmem:s2] =	stream.indirect.scatter.add.f32 [tilespmem:s17], [sflag:$0x2], $0x80, s16, s16, $0xb8;
	[tilespmem:$0x18100] =	vst v63  }
0x3a: {  	_ =	swait.ge [sflag:s15], $0x4000  }
0x3b: {  	s20 =	simm.s32 $0x10;
	s21 =	simm.s32 $0x20;
	[sflag:s15] =	ssyncset.done $0x0  }
.LBB2_6:
0x3c: {  	s22 =	sadd.s32 s20, s13  }
0x3d: {  	[sflag:s15] =	ssyncadd.s32 $0xFFFFC000;
	s23 =	smov.u32 s21;
	s24 =	sadd.s32 $0x10, s21  }
0x3e: {  	[tilespmem:s4], [sflag:$0x2] =	stream.linear.gather [hbm4b:s22+s4], $0x80, $0x38;
	[tilespmem:$0x18100] =	vst v63  }
0x3f: {  	p1 =	sne.s32 s21, $0x9F0;
	_ =	swait.ge [sflag:s15], $0x80  }
0x40: {  	[sflag:s15] =	ssyncset.done $0x0  }
0x41: {  	s21 =	sadd.s32 s20, s12;
	s20 =	smov.u32 s23;
	[sflag:s15] =	ssyncadd.s32 $0xFFFFFF80  }
0x42: {  	[tilespmem:s16], [sflag:$0x2] =	stream.linear.gather [hbm4b:s21+s4], $0x80, $0x38;
	[tilespmem:$0x18100] =	vst v63  }
0x43: {  	_ =	swait.ge [sflag:s15], $0x80  }
0x44: {  	[sflag:s15] =	ssyncset.done $0x0  }
0x45: {  	[sflag:s15] =	ssyncadd.s32 $0xFFFFFF80  }
0x46: {  	[tilespmem:s17], [sflag:$0x1] =	stream.indirect.gather [hbm4b:s6+s16], $0x80, s4, s16, $0xb8;
	[tilespmem:$0x18100] =	vst v63  }
0x47: {  	_ =	swait.ge [sflag:s18], $0x4000  }
.Ltmp3:
0x48: {  	[sflag:s18] =	ssyncset.done $0x0;
	(pc) =	sbr.rel @p1 .LBB2_6-.Ltmp3, $4  }
0x49: {  	[sflag:s18] =	ssyncadd.s32 $0xFFFFC000  }
0x4a: {  	[spmem:s2] =	stream.indirect.scatter.add.f32 [tilespmem:s17], [sflag:$0x2], $0x80, s16, s16, $0xb8;
	[tilespmem:$0x18100] =	vst v63  }
0x4b: {  	_ =	swait.ge [sflag:s15], $0x4000  }
0x4c: {  	s21 =	smov.u32 s24;
	[sflag:s15] =	ssyncset.done $0x0  }
.Ltmp4:
0x4d: {  	_ = 	snop;
	(pc) =	sbr.rel .LBB2_7-.Ltmp4, $1  }
0x4e: {  	_ =	sdelay $0x3  }
.LBB2_2:
0x4f: {  	[tilespmem:s4], [sflag:$0x2] =	stream.linear.gather [hbm4b:s20+s4], $0x80, $0x38;
	[tilespmem:$0x18100] =	vst v63  }
0x50: {  	_ =	swait.ge [sflag:s15], $0x80  }
0x51: {  	[sflag:s15] =	ssyncset.done $0x0  }
0x52: {  	s31 =	sadd.s32 $0x0, s12;
	[sflag:s15] =	ssyncadd.s32 $0xFFFFFF80  }
0x53: {  	[tilespmem:s16], [sflag:$0x2] =	stream.linear.gather [hbm4b:s31+s4], $0x80, $0x38;
	[tilespmem:$0x18100] =	vst v63  }
0x54: {  	_ =	swait.ge [sflag:s15], $0x80  }
0x55: {  	[sflag:s15] =	ssyncset.done $0x0  }
0x56: {  	[sflag:s15] =	ssyncadd.s32 $0xFFFFFF80  }
0x57: {  	[tilespmem:s17], [sflag:$0x1] =	stream.indirect.gather [hbm4b:s5+s16], $0x80, s4, s16, $0xb8;
	[tilespmem:$0x18100] =	vst v63  }
0x58: {  	_ =	swait.ge [sflag:s18], $0x4000  }
0x59: {  	[sflag:s18] =	ssyncset.done $0x0  }
0x5a: {  	[sflag:s18] =	ssyncadd.s32 $0xFFFFC000  }
0x5b: {  	[spmem:s2] =	stream.indirect.scatter.add.f32 [tilespmem:s17], [sflag:$0x2], $0x80, s16, s16, $0xb8;
	[tilespmem:$0x18100] =	vst v63  }
0x5c: {  	_ =	swait.ge [sflag:s15], $0x4000  }
0x5d: {  	s20 =	simm.s32 $0x10;
	s21 =	simm.s32 $0x20;
	[sflag:s15] =	ssyncset.done $0x0  }
.LBB2_3:
0x5e: {  	s22 =	sadd.s32 s20, s13  }
0x5f: {  	[sflag:s15] =	ssyncadd.s32 $0xFFFFC000;
	s23 =	smov.u32 s21;
	s24 =	sadd.s32 $0x10, s21  }
0x60: {  	[tilespmem:s4], [sflag:$0x2] =	stream.linear.gather [hbm4b:s22+s4], $0x80, $0x38;
	[tilespmem:$0x18100] =	vst v63  }
0x61: {  	p1 =	seq.s32 s21, $0x9F0;
	_ =	swait.ge [sflag:s15], $0x80  }
0x62: {  	[sflag:s15] =	ssyncset.done $0x0  }
0x63: {  	s21 =	sadd.s32 s20, s12;
	s20 =	smov.u32 s23;
	[sflag:s15] =	ssyncadd.s32 $0xFFFFFF80  }
0x64: {  	[tilespmem:s16], [sflag:$0x2] =	stream.linear.gather [hbm4b:s21+s4], $0x80, $0x38;
	[tilespmem:$0x18100] =	vst v63  }
0x65: {  	_ =	swait.ge [sflag:s15], $0x80  }
0x66: {  	[sflag:s15] =	ssyncset.done $0x0  }
0x67: {  	[sflag:s15] =	ssyncadd.s32 $0xFFFFFF80  }
0x68: {  	[tilespmem:s17], [sflag:$0x1] =	stream.indirect.gather [hbm4b:s5+s16], $0x80, s4, s16, $0xb8;
	[tilespmem:$0x18100] =	vst v63  }
0x69: {  	_ =	swait.ge [sflag:s18], $0x4000  }
.Ltmp5:
0x6a: {  	[sflag:s18] =	ssyncset.done $0x0;
	(pc) =	sbr.rel @!p1 .LBB2_3-.Ltmp5, $4  }
0x6b: {  	[sflag:s18] =	ssyncadd.s32 $0xFFFFC000  }
0x6c: {  	[spmem:s2] =	stream.indirect.scatter.add.f32 [tilespmem:s17], [sflag:$0x2], $0x80, s16, s16, $0xb8;
	[tilespmem:$0x18100] =	vst v63  }
0x6d: {  	_ =	swait.ge [sflag:s15], $0x4000  }
0x6e: {  	s21 =	smov.u32 s24;
	[sflag:s15] =	ssyncset.done $0x0  }
0x6f: {  	s21 =	sadd.s32 s20, s13;
	[sflag:s15] =	ssyncadd.s32 $0xFFFFC000  }
0x70: {  	[tilespmem:s4], [sflag:$0x2] =	stream.linear.gather [hbm4b:s21+s4], $0x80, $0x38;
	[tilespmem:$0x18100] =	vst v63  }
0x71: {  	_ =	swait.ge [sflag:s15], $0x80  }
0x72: {  	[sflag:s15] =	ssyncset.done $0x0  }
0x73: {  	s31 =	sadd.s32 s20, s12;
	[sflag:s15] =	ssyncadd.s32 $0xFFFFFF80  }
0x74: {  	[tilespmem:s16], [sflag:$0x2] =	stream.linear.gather [hbm4b:s31+s4], $0x80, $0x38;
	[tilespmem:$0x18100] =	vst v63  }
0x75: {  	_ =	swait.ge [sflag:s15], $0x80  }
0x76: {  	[sflag:s15] =	ssyncset.done $0x0  }
0x77: {  	[sflag:s15] =	ssyncadd.s32 $0xFFFFFF80  }
0x78: {  	[tilespmem:s17], [sflag:$0x1] =	stream.indirect.gather [hbm4b:s5+s16], $0x80, s4, s16, $0xb8;
	[tilespmem:$0x18100] =	vst v63  }
0x79: {  	_ =	swait.ge [sflag:s18], $0x4000  }
0x7a: {  	[sflag:s18] =	ssyncset.done $0x0  }
.Ltmp6:
0x7b: {  	[sflag:s18] =	ssyncadd.s32 $0xFFFFC000;
	(pc) =	sbr.rel .LBB2_8-.Ltmp6, $4  }
0x7c: {  	[spmem:s2] =	stream.indirect.scatter.add.f32 [tilespmem:s17], [sflag:$0x2], $0x80, s16, s16, $0xb8;
	[tilespmem:$0x18100] =	vst v63  }
0x7d: {  	_ =	swait.ge [sflag:s15], $0x4000  }
0x7e: {  	[sflag:s15] =	ssyncset.done $0x0  }
0x7f: {  	s20 =	smov.u32 s7;
	[sflag:s15] =	ssyncadd.s32 $0xFFFFC000  }
.LBB2_9:
0x80: {  	_ =	sfence.sel $0x180000  }
0x81: {  	[bflag:$0x0] =	sbarrier.arrive $0xFFFF  }
0x82: {  	p0 =	sne.s32 s3, $0x0;
	_ =	strace $0x90000050  }
0x83: {  	s0 =	sadd.s32 @!p0 $0x100000, s0;
	[bflag:$0x2] =	sbarrier.arrive $0xFFFF  }
0x84: {  	[sflag:s0] =	ssyncadd.tile.s32 @!p0 $0x1;
	_ =	shalt  }
.Lfunc_end2:
_tile_overlayer_lowered:
.L_overlay_start_2:
0x85: {  	(tag) =	ssettag $0x2  }
0x86: {  	s0 =	rddreg [dreg:$0x0];
	s2 =	stileid.u32  }
0x87: {  	s1 =	rddreg [dreg:$0x1];
	p0 =	sne.s32 s2, $0x0  }
0x88: {  	s3 =	rddreg [dreg:$0x2];
	[bflag:$0x3] =	sbarrier.arrive $0xFFFF;
	s2 =	simm.s32 @!p0 $0x1C02  }
0x89: {  	[timem:s3], [sflag:s2] =	dma.local @!p0 [hbm:s0], s1  }
0x8a: {  	s0 =	simm.s32 @!p0 $0x2  }
0x8b: {  	_ =	swait.ge @!p0 [sflag:s0], s1  }
0x8c: {  	s1 =	ssub.s32 @!p0 $0x0, s1;
	[sflag:s0] =	ssyncset.done @!p0 $0x0  }
0x8d: {  	[sflag:s0] =	ssyncadd.s32 @!p0 s1  }
0x8e: {  	[bflag:$0x3] =	sbarrier.arrive $0xFFFF  }
0x8f: {  	_ =	shalt  }

</sc_bundles>
